<compile_context>
chip_gen: v7x
topology: tpu7x:2x2x1
jax: 0.10.2.dev20260603
libtpu: 0.0.44.dev20260713+nightly
codegen_flags: <defaults>
</compile_context>

<pallas_src>
import functools

import jax
import jax.numpy as jnp
from jax import lax
from jax.experimental import pallas as pl
from jax.experimental.pallas import tpu as pltpu
from jax.experimental.pallas import tpu_sc as plsc

N = 10000
NPAD = 10240
E = 320000
D_IN = 128
D_H = 64
D_OUT = 121

NC = 2
NS = 16
NW = NC * NS
CHUNK = 128
NCHUNK = 80
EPT = NCHUNK * CHUNK
EPAD = EPT * NW
RPT = NPAD // NS

_mesh = plsc.VectorSubcoreMesh(core_axis_name="c", subcore_axis_name="s")


@functools.partial(
    pl.kernel,
    out_type=jax.ShapeDtypeStruct((NW, NPAD), jnp.float32),
    mesh=_mesh,
    scratch_types=[
        pltpu.VMEM((NPAD,), jnp.float32),
        pltpu.VMEM((EPT,), jnp.int32),
    ],
    compiler_params=pltpu.CompilerParams(use_tc_tiling_on_sc=False, needs_layout_passes=False),
)
def _sc_hist(dst_hbm, out_hbm, hist_v, idx_v):
    cid = lax.axis_index("c")
    sid = lax.axis_index("s")
    wid = cid * NS + sid

    def zero_body(i, _):
        hist_v[pl.ds(i * 16, 16)] = jnp.zeros((16,), jnp.float32)
        return _

    lax.fori_loop(0, NPAD // 16, zero_body, None)
    pltpu.sync_copy(dst_hbm.at[pl.ds(wid * EPT, EPT)], idx_v)
    ones = jnp.ones((16,), jnp.float32)

    def body(i, _):
        v = idx_v[pl.ds(i * 16, 16)]
        plsc.addupdate_scatter(hist_v, [v], ones)
        return _

    lax.fori_loop(0, EPT // 16, body, None)
    pltpu.sync_copy(hist_v, out_hbm.at[wid])


@functools.partial(
    pl.kernel,
    out_type=jax.ShapeDtypeStruct((NC, NPAD, D_H), jnp.float32),
    mesh=_mesh,
    scratch_types=[
        pltpu.VMEM_SHARED((NPAD, D_H), jnp.float32),
        pltpu.VMEM((NCHUNK, CHUNK), jnp.int32),
        pltpu.VMEM((NCHUNK, CHUNK), jnp.int32),
        pltpu.VMEM((2, CHUNK, D_H), jnp.float32),
        pltpu.SemaphoreType.DMA,
        pltpu.SemaphoreType.DMA,
    ],
    compiler_params=pltpu.CompilerParams(use_tc_tiling_on_sc=False, needs_layout_passes=False),
)
def _sc_agg(src_hbm, dst_hbm, g_hbm, zeros_hbm, out_hbm,
            acc_sh, src_v, dst_v, rows_v, sem0, sem1):
    cid = lax.axis_index("c")
    sid = lax.axis_index("s")
    wid = cid * NS + sid
    sems = (sem0, sem1)

    pltpu.sync_copy(zeros_hbm.at[pl.ds(sid * RPT, RPT)],
                    acc_sh.at[pl.ds(sid * RPT, RPT)])
    pltpu.sync_copy(src_hbm.at[pl.ds(wid * NCHUNK, NCHUNK)], src_v)
    pltpu.sync_copy(dst_hbm.at[pl.ds(wid * NCHUNK, NCHUNK)], dst_v)
    plsc.subcore_barrier()

    pltpu.async_copy(g_hbm.at[src_v.at[0]], rows_v.at[0], sem0)

    def body(k, _):
        for b in range(2):
            j = 2 * k + b
            nj = j + 1
            nb = 1 - b

            @pl.when(nj < NCHUNK)
            def _prefetch():
                pltpu.async_copy(g_hbm.at[src_v.at[nj]], rows_v.at[nb], sems[nb])

            pltpu.make_async_copy(g_hbm.at[src_v.at[j]], rows_v.at[b],
                                  sems[b]).wait()
            pltpu.sync_copy(rows_v.at[b], acc_sh.at[dst_v.at[j]], add=True)
        return _

    lax.fori_loop(0, NCHUNK // 2, body, None)
    plsc.subcore_barrier()
    pltpu.sync_copy(acc_sh.at[pl.ds(sid * RPT, RPT)],
                    out_hbm.at[cid, pl.ds(sid * RPT, RPT)])


def _dinv_from_hist(hist_ref):
    j = pl.program_id(0)
    deg = jnp.sum(hist_ref[:, pl.ds(j * _BN, _BN)], axis=0) + 1.0
    return lax.rsqrt(deg)


def _tc1_body(hist_ref, x_ref, w1_ref, g1_ref):
    dinv = _dinv_from_hist(hist_ref)
    hw = jnp.dot(x_ref[...], w1_ref[...], preferred_element_type=jnp.float32)
    g1_ref[...] = hw * dinv[:, None]


def _tc2_body(hist_ref, p_ref, g1_ref, b1_ref, w2_ref, g2_ref):
    dinv = _dinv_from_hist(hist_ref)
    s = p_ref[0] + p_ref[1] + g1_ref[...]
    h = jnp.maximum(s * dinv[:, None] + b1_ref[...], 0.0)
    hw = jnp.dot(h, w2_ref[...], preferred_element_type=jnp.float32)
    g2_ref[...] = hw * dinv[:, None]


def _tc3_body(hist_ref, p_ref, g2_ref, b2_ref, wo_ref, bo_ref, out_ref):
    dinv = _dinv_from_hist(hist_ref)
    s = p_ref[0] + p_ref[1] + g2_ref[...]
    h = jnp.maximum(s * dinv[:, None] + b2_ref[...], 0.0)
    out_ref[...] = (jnp.dot(h, wo_ref[...], preferred_element_type=jnp.float32)
                    + bo_ref[...])


_BN = 1024
_GRID = NPAD // _BN


def _tc1(hist, x, W1):
    return pl.pallas_call(
        _tc1_body,
        grid=(_GRID,),
        in_specs=[
            pl.BlockSpec((NW, NPAD), lambda j: (0, 0)),
            pl.BlockSpec((_BN, D_IN), lambda j: (j, 0)),
            pl.BlockSpec((D_IN, D_H), lambda j: (0, 0)),
        ],
        out_specs=pl.BlockSpec((_BN, D_H), lambda j: (j, 0)),
        out_shape=jax.ShapeDtypeStruct((NPAD, D_H), jnp.float32),
    )(hist, x, W1)


def _tc2(hist, p, g1, b1, W2):
    return pl.pallas_call(
        _tc2_body,
        grid=(_GRID,),
        in_specs=[
            pl.BlockSpec((NW, NPAD), lambda j: (0, 0)),
            pl.BlockSpec((NC, _BN, D_H), lambda j: (0, j, 0)),
            pl.BlockSpec((_BN, D_H), lambda j: (j, 0)),
            pl.BlockSpec((1, D_H), lambda j: (0, 0)),
            pl.BlockSpec((D_H, D_H), lambda j: (0, 0)),
        ],
        out_specs=pl.BlockSpec((_BN, D_H), lambda j: (j, 0)),
        out_shape=jax.ShapeDtypeStruct((NPAD, D_H), jnp.float32),
    )(hist, p, g1, b1, W2)


def _tc3(hist, p, g2, b2, W_out, b_out):
    return pl.pallas_call(
        _tc3_body,
        grid=(_GRID,),
        in_specs=[
            pl.BlockSpec((NW, NPAD), lambda j: (0, 0)),
            pl.BlockSpec((NC, _BN, D_H), lambda j: (0, j, 0)),
            pl.BlockSpec((_BN, D_H), lambda j: (j, 0)),
            pl.BlockSpec((1, D_H), lambda j: (0, 0)),
            pl.BlockSpec((D_H, D_OUT), lambda j: (0, 0)),
            pl.BlockSpec((1, D_OUT), lambda j: (0, 0)),
        ],
        out_specs=pl.BlockSpec((_BN, D_OUT), lambda j: (j, 0)),
        out_shape=jax.ShapeDtypeStruct((NPAD, D_OUT), jnp.float32),
    )(hist, p, g2, b2, W_out, b_out)


def kernel(x, edge_index, W1, b1, W2, b2, W_out, b_out):
    src = edge_index[0].astype(jnp.int32)
    dst = edge_index[1].astype(jnp.int32)
    npad = EPAD - E
    src_p = jnp.concatenate([src, jnp.zeros((npad,), jnp.int32)])
    dst_p = jnp.concatenate([dst, jnp.full((npad,), N, jnp.int32)])
    src2d = src_p.reshape(NW * NCHUNK, CHUNK)
    dst2d = dst_p.reshape(NW * NCHUNK, CHUNK)
    zeros = jnp.zeros((NPAD, D_H), jnp.float32)
    x_p = jnp.pad(x, ((0, NPAD - N), (0, 0)))

    hist = _sc_hist(dst_p)
    g1 = _tc1(hist, x_p, W1)
    p1 = _sc_agg(src2d, dst2d, g1, zeros)
    g2 = _tc2(hist, p1, g1, b1.reshape(1, D_H), W2)
    p2 = _sc_agg(src2d, dst2d, g2, zeros)
    logits = _tc3(hist, p2, g2, b2.reshape(1, D_H), W_out.reshape(D_H, D_OUT),
                  b_out.reshape(1, D_OUT))
    return logits[:N]

# --- scband reference (transcript-rebuilt; emitter-appended) ---
"""Pipeline reference for scband-gcnmulti-label-21904333209751 (READ-ONLY COPY).

The authoritative reference and input builder live on the scoring server;
editing this copy changes nothing except your own understanding.
"""

import jax, jax.numpy as jnp
import numpy as np

N_NODES = 10000
N_EDGES = 320000
IN_DIM = 128
HIDDEN_DIM = 64
NUM_LABELS = 121


def setup_inputs(seed: int = 0) -> dict:
    key = jax.random.key(seed)
    ks = jax.random.split(key, 8)
    x = jax.random.normal(ks[0], (N_NODES, IN_DIM), dtype=jnp.float32)
    edge_index = jax.random.randint(ks[1], (2, N_EDGES), 0, N_NODES, dtype=jnp.int64)
    s1 = 1.0 / np.sqrt(IN_DIM)
    s2 = 1.0 / np.sqrt(HIDDEN_DIM)
    W1 = jax.random.uniform(ks[2], (IN_DIM, HIDDEN_DIM), jnp.float32, -s1, s1)
    b1 = jnp.zeros((HIDDEN_DIM,), jnp.float32)
    W2 = jax.random.uniform(ks[3], (HIDDEN_DIM, HIDDEN_DIM), jnp.float32, -s2, s2)
    b2 = jnp.zeros((HIDDEN_DIM,), jnp.float32)
    W_out = jax.random.uniform(ks[4], (HIDDEN_DIM, NUM_LABELS), jnp.float32, -s2, s2)
    b_out = jax.random.uniform(ks[5], (NUM_LABELS,), jnp.float32, -s2, s2)
    return {"x": x, "edge_index": edge_index, "W1": W1, "b1": b1, "W2": W2, "b2": b2, "W_out": W_out, "b_out": b_out}


def _gcn_conv(h, src, dst, W, b, n):
    # GCNConv: h' = D^{-1/2} (A + I) D^{-1/2} (h W) + b, self-loops already in src/dst
    deg = jax.ops.segment_sum(jnp.ones_like(dst, dtype=h.dtype), dst, num_segments=n)
    dinv = jax.lax.rsqrt(jnp.maximum(deg, 1.0))
    norm = dinv[src] * dinv[dst]
    hw = h @ W
    msg = hw[src] * norm[:, None]
    return jax.ops.segment_sum(msg, dst, num_segments=n) + b


def reference(x, edge_index, W1, b1, W2, b2, W_out, b_out):
    n = x.shape[0]
    loops = jnp.arange(n, dtype=edge_index.dtype)
    src = jnp.concatenate([edge_index[0], loops])
    dst = jnp.concatenate([edge_index[1], loops])
    h = jax.nn.relu(_gcn_conv(x, src, dst, W1, b1, n))
    # dropout p=0.5 is identity in eval mode
    h = jax.nn.relu(_gcn_conv(h, src, dst, W2, b2, n))
    logits = h @ W_out + b_out
    return logits

if __name__ == "__main__":
    import jax
    _d = setup_inputs()
    print(jax.jit(kernel)(*tuple(_d.values())))

</pallas_src>

<mosaic_0001>
#map = affine_map<(d0, d1) -> (0)>
#map1 = affine_map<(d0, d1) -> (0, 0)>
module attributes {stable_mosaic.version = 14 : i64} {
  func.func @_sc_hist(%arg0: i32, %arg1: i32, %arg2: memref<327680xi32, #tpu.memory_space<hbm>>, %arg3: memref<32x10240xf32, #tpu.memory_space<hbm>>, %arg4: memref<10240xf32, #tpu.memory_space<vmem>>, %arg5: memref<10240xi32, #tpu.memory_space<vmem>>) attributes {dimension_semantics = [#tpu.dimension_semantics<core_parallel>, #tpu.dimension_semantics<subcore_parallel>], iteration_bounds = array<i64: 2, 16>, scalar_prefetch = 0 : i64, scratch_operands = 2 : i64, tpu.core_type = #tpu.core_type<sc_vector_subcore>, window_params = [{transform_indices = #map}, {transform_indices = #map1}]} {
    %mul3A = arith.constant 16 : i32
    %mul3A_0 = arith.muli %arg0, %mul3A : i32
    %add3A = arith.addi %mul3A_0, %arg1 : i32
    %scan3A = arith.constant 0 : i32
    %scan3A_1 = arith.constant 640 : i32
    %scan3A_2 = arith.addi %scan3A, %scan3A_1 : i32
    %scan3A_3 = arith.constant 1 : i32
    scf.for %scan3A_13 = %scan3A to %scan3A_2 step %scan3A_3  : i32 {
      %broadcast_in_dim3A_14 = arith.constant 0.000000e+00 : f32
      %broadcast_in_dim3A_15 = vector.broadcast %broadcast_in_dim3A_14 : f32 to vector<16xf32>
      %mul3A_16 = arith.constant 16 : i32
      %mul3A_17 = arith.muli %scan3A_13, %mul3A_16 : i32
      %swap3A = arith.index_cast %mul3A_17 : i32 to index
      %swap3A_18 = tpu.vector_load %arg4[%swap3A] {strides = array<i32>} : memref<10240xf32, #tpu.memory_space<vmem>>, vector<16xf32>,
      tpu.vector_store %arg4[%swap3A], %broadcast_in_dim3A_15 {strides = array<i32>} : memref<10240xf32, #tpu.memory_space<vmem>>, vector<16xf32>,
    }
    %scan3A_4 = arith.constant 640 : i32
    %mul3A_5 = arith.constant 10240 : i32
    %mul3A_6 = arith.muli %add3A, %mul3A_5 : i32
    "tpu.region"() ({
      %run_scoped3A = tpu.sem_alloc : memref<!tpu.dma_semaphore, #tpu.memory_space<semaphore_mem>>
      %dma_start3A = tpu.memref_slice %arg2[%mul3A_6] : memref<327680xi32, #tpu.memory_space<hbm>> -> memref<10240xi32, #tpu.memory_space<hbm>>
      %dma_start3A_13 = tpu.memref_slice %arg2[%mul3A_6] : memref<327680xi32, #tpu.memory_space<hbm>> -> memref<10240xi32, #tpu.memory_space<hbm>>
      tpu.enqueue_dma source(%dma_start3A_13 : memref<10240xi32, #tpu.memory_space<hbm>>) target(%arg5 : memref<10240xi32, #tpu.memory_space<vmem>>) target_semaphore(%run_scoped3A : memref<!tpu.dma_semaphore, #tpu.memory_space<semaphore_mem>>)
      %dma_wait3A = tpu.memref_slice %arg2[%mul3A_6] : memref<327680xi32, #tpu.memory_space<hbm>> -> memref<10240xi32, #tpu.memory_space<hbm>>
      %dma_wait3A_14 = tpu.memref_slice %arg2[%mul3A_6] : memref<327680xi32, #tpu.memory_space<hbm>> -> memref<10240xi32, #tpu.memory_space<hbm>>
      tpu.wait_dma2 semaphore(%run_scoped3A : memref<!tpu.dma_semaphore, #tpu.memory_space<semaphore_mem>>) src(%dma_wait3A_14 : memref<10240xi32, #tpu.memory_space<hbm>>) dst(%arg5 : memref<10240xi32, #tpu.memory_space<vmem>>)
      tpu.yield
    }) : () -> ()
    %broadcast_in_dim3A = arith.constant 1.000000e+00 : f32
    %broadcast_in_dim3A_7 = vector.broadcast %broadcast_in_dim3A : f32 to vector<16xf32>
    %scan3A_8 = arith.constant 0 : i32
    %scan3A_9 = arith.constant 640 : i32
    %scan3A_10 = arith.addi %scan3A_8, %scan3A_9 : i32
    %scan3A_11 = arith.constant 1 : i32
    scf.for %scan3A_13 = %scan3A_8 to %scan3A_10 step %scan3A_11  : i32 {
      %mul3A_14 = arith.constant 16 : i32
      %mul3A_15 = arith.muli %scan3A_13, %mul3A_14 : i32
      %get3A = arith.index_cast %mul3A_15 : i32 to index
      %get3A_16 = tpu.vector_load %arg5[%get3A] {strides = array<i32>} : memref<10240xi32, #tpu.memory_space<vmem>>, vector<16xi32>,
      tpu.vector_store_idx %arg4[%get3A_16], %broadcast_in_dim3A_7 {add = true} : memref<10240xf32, #tpu.memory_space<vmem>>[vector<16xi32>], vector<16xf32>,
    }
    %scan3A_12 = arith.constant 640 : i32
    "tpu.region"() ({
      %run_scoped3A = tpu.sem_alloc : memref<!tpu.dma_semaphore, #tpu.memory_space<semaphore_mem>>
      %dma_start3A = arith.constant 0 : i32
      %dma_start3A_13 = tpu.memref_slice %arg3[%add3A, %dma_start3A] : memref<32x10240xf32, #tpu.memory_space<hbm>> -> memref<1x10240xf32, #tpu.memory_space<hbm>>
      %dma_start3A_14 = tpu.memref_squeeze %dma_start3A_13 : memref<1x10240xf32, #tpu.memory_space<hbm>> -> memref<10240xf32, #tpu.memory_space<hbm>>
      %dma_start3A_15 = arith.constant 0 : i32
      %dma_start3A_16 = tpu.memref_slice %arg3[%add3A, %dma_start3A_15] : memref<32x10240xf32, #tpu.memory_space<hbm>> -> memref<1x10240xf32, #tpu.memory_space<hbm>>
      %dma_start3A_17 = tpu.memref_squeeze %dma_start3A_16 : memref<1x10240xf32, #tpu.memory_space<hbm>> -> memref<10240xf32, #tpu.memory_space<hbm>>
      tpu.enqueue_dma source(%arg4 : memref<10240xf32, #tpu.memory_space<vmem>>) target(%dma_start3A_17 : memref<10240xf32, #tpu.memory_space<hbm>>) target_semaphore(%run_scoped3A : memref<!tpu.dma_semaphore, #tpu.memory_space<semaphore_mem>>)
      %dma_wait3A = arith.constant 0 : i32
      %dma_wait3A_18 = tpu.memref_slice %arg3[%add3A, %dma_wait3A] : memref<32x10240xf32, #tpu.memory_space<hbm>> -> memref<1x10240xf32, #tpu.memory_space<hbm>>
      %dma_wait3A_19 = tpu.memref_squeeze %dma_wait3A_18 : memref<1x10240xf32, #tpu.memory_space<hbm>> -> memref<10240xf32, #tpu.memory_space<hbm>>
      %dma_wait3A_20 = arith.constant 0 : i32
      %dma_wait3A_21 = tpu.memref_slice %arg3[%add3A, %dma_wait3A_20] : memref<32x10240xf32, #tpu.memory_space<hbm>> -> memref<1x10240xf32, #tpu.memory_space<hbm>>
      %dma_wait3A_22 = tpu.memref_squeeze %dma_wait3A_21 : memref<1x10240xf32, #tpu.memory_space<hbm>> -> memref<10240xf32, #tpu.memory_space<hbm>>
      tpu.wait_dma2 semaphore(%run_scoped3A : memref<!tpu.dma_semaphore, #tpu.memory_space<semaphore_mem>>) src(%arg4 : memref<10240xf32, #tpu.memory_space<vmem>>) dst(%dma_wait3A_22 : memref<10240xf32, #tpu.memory_space<hbm>>)
      tpu.yield
    }) : () -> ()
    return
  }
}

#map = affine_map<(d0, d1) -> (0, 0)>
#map1 = affine_map<(d0, d1) -> (0, 0, 0)>
module attributes {stable_mosaic.version = 14 : i64} {
  func.func @_sc_agg(%arg0: i32, %arg1: i32, %arg2: memref<2560x128xi32, #tpu.memory_space<hbm>>, %arg3: memref<2560x128xi32, #tpu.memory_space<hbm>>, %arg4: memref<10240x64xf32, #tpu.memory_space<hbm>>, %arg5: memref<10240x64xf32, #tpu.memory_space<hbm>>, %arg6: memref<2x10240x64xf32, #tpu.memory_space<hbm>>, %arg7: memref<10240x64xf32, #tpu.memory_space<vmem_shared>>, %arg8: memref<80x128xi32, #tpu.memory_space<vmem>>, %arg9: memref<80x128xi32, #tpu.memory_space<vmem>>, %arg10: memref<2x128x64xf32, #tpu.memory_space<vmem>>, %arg11: memref<!tpu.dma_semaphore, #tpu.memory_space<semaphore_mem>>, %arg12: memref<!tpu.dma_semaphore, #tpu.memory_space<semaphore_mem>>) attributes {dimension_semantics = [#tpu.dimension_semantics<core_parallel>, #tpu.dimension_semantics<subcore_parallel>], iteration_bounds = array<i64: 2, 16>, scalar_prefetch = 0 : i64, scratch_operands = 6 : i64, tpu.core_type = #tpu.core_type<sc_vector_subcore>, window_params = [{transform_indices = #map}, {transform_indices = #map}, {transform_indices = #map}, {transform_indices = #map}, {transform_indices = #map1}]} {
    %mul3A = arith.constant 16 : i32
    %mul3A_0 = arith.muli %arg0, %mul3A : i32
    %add3A = arith.addi %mul3A_0, %arg1 : i32
    %mul3A_1 = arith.constant 640 : i32
    %mul3A_2 = arith.muli %arg1, %mul3A_1 : i32
    %mul3A_3 = arith.constant 640 : i32
    %mul3A_4 = arith.muli %arg1, %mul3A_3 : i32
    "tpu.region"() ({
      %run_scoped3A = tpu.sem_alloc : memref<!tpu.dma_semaphore, #tpu.memory_space<semaphore_mem>>
      %dma_start3A_29 = arith.constant 0 : i32
      %dma_start3A_30 = tpu.memref_slice %arg7[%mul3A_4, %dma_start3A_29] : memref<10240x64xf32, #tpu.memory_space<vmem_shared>> -> memref<640x64xf32, #tpu.memory_space<vmem_shared>>
      %dma_start3A_31 = arith.constant 0 : i32
      %dma_start3A_32 = tpu.memref_slice %arg5[%mul3A_2, %dma_start3A_31] : memref<10240x64xf32, #tpu.memory_space<hbm>> -> memref<640x64xf32, #tpu.memory_space<hbm>>
      tpu.enqueue_dma source(%dma_start3A_32 : memref<640x64xf32, #tpu.memory_space<hbm>>) target(%dma_start3A_30 : memref<640x64xf32, #tpu.memory_space<vmem_shared>>) target_semaphore(%run_scoped3A : memref<!tpu.dma_semaphore, #tpu.memory_space<semaphore_mem>>)
      %dma_wait3A = arith.constant 0 : i32
      %dma_wait3A_33 = tpu.memref_slice %arg7[%mul3A_4, %dma_wait3A] : memref<10240x64xf32, #tpu.memory_space<vmem_shared>> -> memref<640x64xf32, #tpu.memory_space<vmem_shared>>
      %dma_wait3A_34 = arith.constant 0 : i32
      %dma_wait3A_35 = tpu.memref_slice %arg5[%mul3A_2, %dma_wait3A_34] : memref<10240x64xf32, #tpu.memory_space<hbm>> -> memref<640x64xf32, #tpu.memory_space<hbm>>
      tpu.wait_dma2 semaphore(%run_scoped3A : memref<!tpu.dma_semaphore, #tpu.memory_space<semaphore_mem>>) src(%dma_wait3A_35 : memref<640x64xf32, #tpu.memory_space<hbm>>) dst(%dma_wait3A_33 : memref<640x64xf32, #tpu.memory_space<vmem_shared>>)
      tpu.yield
    }) : () -> ()
    %mul3A_5 = arith.constant 80 : i32
    %mul3A_6 = arith.muli %add3A, %mul3A_5 : i32
    "tpu.region"() ({
      %run_scoped3A = tpu.sem_alloc : memref<!tpu.dma_semaphore, #tpu.memory_space<semaphore_mem>>
      %dma_start3A_29 = arith.constant 0 : i32
      %dma_start3A_30 = tpu.memref_slice %arg2[%mul3A_6, %dma_start3A_29] : memref<2560x128xi32, #tpu.memory_space<hbm>> -> memref<80x128xi32, #tpu.memory_space<hbm>>
      %dma_start3A_31 = arith.constant 0 : i32
      %dma_start3A_32 = tpu.memref_slice %arg2[%mul3A_6, %dma_start3A_31] : memref<2560x128xi32, #tpu.memory_space<hbm>> -> memref<80x128xi32, #tpu.memory_space<hbm>>
      tpu.enqueue_dma source(%dma_start3A_32 : memref<80x128xi32, #tpu.memory_space<hbm>>) target(%arg8 : memref<80x128xi32, #tpu.memory_space<vmem>>) target_semaphore(%run_scoped3A : memref<!tpu.dma_semaphore, #tpu.memory_space<semaphore_mem>>)
      %dma_wait3A = arith.constant 0 : i32
      %dma_wait3A_33 = tpu.memref_slice %arg2[%mul3A_6, %dma_wait3A] : memref<2560x128xi32, #tpu.memory_space<hbm>> -> memref<80x128xi32, #tpu.memory_space<hbm>>
      %dma_wait3A_34 = arith.constant 0 : i32
      %dma_wait3A_35 = tpu.memref_slice %arg2[%mul3A_6, %dma_wait3A_34] : memref<2560x128xi32, #tpu.memory_space<hbm>> -> memref<80x128xi32, #tpu.memory_space<hbm>>
      tpu.wait_dma2 semaphore(%run_scoped3A : memref<!tpu.dma_semaphore, #tpu.memory_space<semaphore_mem>>) src(%dma_wait3A_35 : memref<80x128xi32, #tpu.memory_space<hbm>>) dst(%arg8 : memref<80x128xi32, #tpu.memory_space<vmem>>)
      tpu.yield
    }) : () -> ()
    %mul3A_7 = arith.constant 80 : i32
    %mul3A_8 = arith.muli %add3A, %mul3A_7 : i32
    "tpu.region"() ({
      %run_scoped3A = tpu.sem_alloc : memref<!tpu.dma_semaphore, #tpu.memory_space<semaphore_mem>>
      %dma_start3A_29 = arith.constant 0 : i32
      %dma_start3A_30 = tpu.memref_slice %arg3[%mul3A_8, %dma_start3A_29] : memref<2560x128xi32, #tpu.memory_space<hbm>> -> memref<80x128xi32, #tpu.memory_space<hbm>>
      %dma_start3A_31 = arith.constant 0 : i32
      %dma_start3A_32 = tpu.memref_slice %arg3[%mul3A_8, %dma_start3A_31] : memref<2560x128xi32, #tpu.memory_space<hbm>> -> memref<80x128xi32, #tpu.memory_space<hbm>>
      tpu.enqueue_dma source(%dma_start3A_32 : memref<80x128xi32, #tpu.memory_space<hbm>>) target(%arg9 : memref<80x128xi32, #tpu.memory_space<vmem>>) target_semaphore(%run_scoped3A : memref<!tpu.dma_semaphore, #tpu.memory_space<semaphore_mem>>)
      %dma_wait3A = arith.constant 0 : i32
      %dma_wait3A_33 = tpu.memref_slice %arg3[%mul3A_8, %dma_wait3A] : memref<2560x128xi32, #tpu.memory_space<hbm>> -> memref<80x128xi32, #tpu.memory_space<hbm>>
      %dma_wait3A_34 = arith.constant 0 : i32
      %dma_wait3A_35 = tpu.memref_slice %arg3[%mul3A_8, %dma_wait3A_34] : memref<2560x128xi32, #tpu.memory_space<hbm>> -> memref<80x128xi32, #tpu.memory_space<hbm>>
      tpu.wait_dma2 semaphore(%run_scoped3A : memref<!tpu.dma_semaphore, #tpu.memory_space<semaphore_mem>>) src(%dma_wait3A_35 : memref<80x128xi32, #tpu.memory_space<hbm>>) dst(%arg9 : memref<80x128xi32, #tpu.memory_space<vmem>>)
      tpu.yield
    }) : () -> ()
    %barrier3A = arith.constant 0 : index
    tpu.barrier barrier_id(%barrier3A)
    %dma_start3A = arith.constant 0 : i32
    %dma_start3A_9 = arith.constant 0 : i32
    %dma_start3A_10 = arith.constant 0 : i32
    %dma_start3A_11 = arith.constant 0 : i32
    %dma_start3A_12 = tpu.memref_slice %arg10[%dma_start3A_9, %dma_start3A_10, %dma_start3A_11] : memref<2x128x64xf32, #tpu.memory_space<vmem>> -> memref<1x128x64xf32, #tpu.memory_space<vmem>>
    %dma_start3A_13 = tpu.memref_squeeze %dma_start3A_12 : memref<1x128x64xf32, #tpu.memory_space<vmem>> -> memref<128x64xf32, #tpu.memory_space<vmem>>
    %dma_start3A_14 = arith.constant 0 : i32
    %dma_start3A_15 = tpu.memref_slice %arg8[%dma_start3A, %dma_start3A_14] : memref<80x128xi32, #tpu.memory_space<vmem>> -> memref<1x128xi32, #tpu.memory_space<vmem>>
    %dma_start3A_16 = tpu.memref_squeeze %dma_start3A_15 : memref<1x128xi32, #tpu.memory_space<vmem>> -> memref<128xi32, #tpu.memory_space<vmem>>
    %dma_start3A_17 = arith.constant 0 : i32
    %dma_start3A_18 = arith.constant 0 : i32
    %dma_start3A_19 = tpu.memref_slice %arg4[%dma_start3A_17, %dma_start3A_18] : memref<10240x64xf32, #tpu.memory_space<hbm>> -> memref<10240x64xf32, #tpu.memory_space<hbm>>
    tpu.enqueue_indirect_dma source(%dma_start3A_19 : memref<10240x64xf32, #tpu.memory_space<hbm>>) target(%dma_start3A_13 : memref<128x64xf32, #tpu.memory_space<vmem>>) offsets(%dma_start3A_16 : memref<128xi32, #tpu.memory_space<vmem>>) semaphore(%arg11 : memref<!tpu.dma_semaphore, #tpu.memory_space<semaphore_mem>>)
    %scan3A = arith.constant 0 : i32
    %scan3A_20 = arith.constant 40 : i32
    %scan3A_21 = arith.addi %scan3A, %scan3A_20 : i32
    %scan3A_22 = arith.constant 1 : i32
    scf.for %scan3A_29 = %scan3A to %scan3A_21 step %scan3A_22  : i32 {
      %mul3A_30 = arith.constant 2 : i32
      %mul3A_31 = arith.muli %mul3A_30, %scan3A_29 : i32
      %add3A_32 = arith.constant 0 : i32
      %add3A_33 = arith.addi %mul3A_31, %add3A_32 : i32
      %add3A_34 = arith.constant 1 : i32
      %add3A_35 = arith.addi %add3A_33, %add3A_34 : i32
      %lt3A = arith.constant 80 : i32
      %lt3A_36 = arith.cmpi slt, %add3A_35, %lt3A : i32
      %convert_element_type3A = arith.extui %lt3A_36 : i1 to i32
      %cond3A = arith.constant 0 : i32
      %cond3A_37 = arith.cmpi ne, %convert_element_type3A, %cond3A : i32
      scf.if %cond3A_37 {
        %dma_start3A_71 = arith.constant 1 : i32
        %dma_start3A_72 = arith.constant 0 : i32
        %dma_start3A_73 = arith.constant 0 : i32
        %dma_start3A_74 = tpu.memref_slice %arg10[%dma_start3A_71, %dma_start3A_72, %dma_start3A_73] : memref<2x128x64xf32, #tpu.memory_space<vmem>> -> memref<1x128x64xf32, #tpu.memory_space<vmem>>
        %dma_start3A_75 = tpu.memref_squeeze %dma_start3A_74 : memref<1x128x64xf32, #tpu.memory_space<vmem>> -> memref<128x64xf32, #tpu.memory_space<vmem>>
        %dma_start3A_76 = arith.constant 0 : i32
        %dma_start3A_77 = tpu.memref_slice %arg8[%add3A_35, %dma_start3A_76] : memref<80x128xi32, #tpu.memory_space<vmem>> -> memref<1x128xi32, #tpu.memory_space<vmem>>
        %dma_start3A_78 = tpu.memref_squeeze %dma_start3A_77 : memref<1x128xi32, #tpu.memory_space<vmem>> -> memref<128xi32, #tpu.memory_space<vmem>>
        %dma_start3A_79 = arith.constant 0 : i32
        %dma_start3A_80 = arith.constant 0 : i32
        %dma_start3A_81 = tpu.memref_slice %arg4[%dma_start3A_79, %dma_start3A_80] : memref<10240x64xf32, #tpu.memory_space<hbm>> -> memref<10240x64xf32, #tpu.memory_space<hbm>>
        tpu.enqueue_indirect_dma source(%dma_start3A_81 : memref<10240x64xf32, #tpu.memory_space<hbm>>) target(%dma_start3A_75 : memref<128x64xf32, #tpu.memory_space<vmem>>) offsets(%dma_start3A_78 : memref<128xi32, #tpu.memory_space<vmem>>) semaphore(%arg12 : memref<!tpu.dma_semaphore, #tpu.memory_space<semaphore_mem>>)
      } else {
      }
      %dma_wait3A = arith.constant 0 : i32
      %dma_wait3A_38 = arith.constant 0 : i32
      %dma_wait3A_39 = arith.constant 0 : i32
      %dma_wait3A_40 = tpu.memref_slice %arg10[%dma_wait3A, %dma_wait3A_38, %dma_wait3A_39] : memref<2x128x64xf32, #tpu.memory_space<vmem>> -> memref<1x128x64xf32, #tpu.memory_space<vmem>>
      %dma_wait3A_41 = tpu.memref_squeeze %dma_wait3A_40 : memref<1x128x64xf32, #tpu.memory_space<vmem>> -> memref<128x64xf32, #tpu.memory_space<vmem>>
      %dma_wait3A_42 = arith.constant 0 : i32
      %dma_wait3A_43 = tpu.memref_slice %arg8[%add3A_33, %dma_wait3A_42] : memref<80x128xi32, #tpu.memory_space<vmem>> -> memref<1x128xi32, #tpu.memory_space<vmem>>
      %dma_wait3A_44 = tpu.memref_squeeze %dma_wait3A_43 : memref<1x128xi32, #tpu.memory_space<vmem>> -> memref<128xi32, #tpu.memory_space<vmem>>
      %dma_wait3A_45 = arith.constant 0 : i32
      %dma_wait3A_46 = arith.constant 0 : i32
      %dma_wait3A_47 = tpu.memref_slice %arg4[%dma_wait3A_45, %dma_wait3A_46] : memref<10240x64xf32, #tpu.memory_space<hbm>> -> memref<10240x64xf32, #tpu.memory_space<hbm>>
      tpu.wait_indirect_dma semaphore(%arg11 : memref<!tpu.dma_semaphore, #tpu.memory_space<semaphore_mem>>) src(%dma_wait3A_47 : memref<10240x64xf32, #tpu.memory_space<hbm>>) dst(%dma_wait3A_41 : memref<128x64xf32, #tpu.memory_space<vmem>>)
      %run_scoped3A = arith.constant 0 : i32
      "tpu.region"() ({
        %run_scoped3A_71 = tpu.sem_alloc : memref<!tpu.dma_semaphore, #tpu.memory_space<semaphore_mem>>
        %dma_start3A_72 = arith.constant 0 : i32
        %dma_start3A_73 = arith.constant 0 : i32
        %dma_start3A_74 = tpu.memref_slice %arg10[%run_scoped3A, %dma_start3A_72, %dma_start3A_73] : memref<2x128x64xf32, #tpu.memory_space<vmem>> -> memref<1x128x64xf32, #tpu.memory_space<vmem>>
        %dma_start3A_75 = tpu.memref_squeeze %dma_start3A_74 : memref<1x128x64xf32, #tpu.memory_space<vmem>> -> memref<128x64xf32, #tpu.memory_space<vmem>>
        %dma_start3A_76 = arith.constant 0 : i32
        %dma_start3A_77 = tpu.memref_slice %arg9[%add3A_33, %dma_start3A_76] : memref<80x128xi32, #tpu.memory_space<vmem>> -> memref<1x128xi32, #tpu.memory_space<vmem>>
        %dma_start3A_78 = tpu.memref_squeeze %dma_start3A_77 : memref<1x128xi32, #tpu.memory_space<vmem>> -> memref<128xi32, #tpu.memory_space<vmem>>
        %dma_start3A_79 = arith.constant 0 : i32
        %dma_start3A_80 = arith.constant 0 : i32
        %dma_start3A_81 = tpu.memref_slice %arg7[%dma_start3A_79, %dma_start3A_80] : memref<10240x64xf32, #tpu.memory_space<vmem_shared>> -> memref<10240x64xf32, #tpu.memory_space<vmem_shared>>
        tpu.enqueue_indirect_dma source(%dma_start3A_75 : memref<128x64xf32, #tpu.memory_space<vmem>>) target(%dma_start3A_81 : memref<10240x64xf32, #tpu.memory_space<vmem_shared>>) offsets(%dma_start3A_78 : memref<128xi32, #tpu.memory_space<vmem>>) semaphore(%run_scoped3A_71 : memref<!tpu.dma_semaphore, #tpu.memory_space<semaphore_mem>>) {add = true}
        %dma_wait3A_82 = arith.constant 0 : i32
        %dma_wait3A_83 = arith.constant 0 : i32
        %dma_wait3A_84 = tpu.memref_slice %arg10[%run_scoped3A, %dma_wait3A_82, %dma_wait3A_83] : memref<2x128x64xf32, #tpu.memory_space<vmem>> -> memref<1x128x64xf32, #tpu.memory_space<vmem>>
        %dma_wait3A_85 = tpu.memref_squeeze %dma_wait3A_84 : memref<1x128x64xf32, #tpu.memory_space<vmem>> -> memref<128x64xf32, #tpu.memory_space<vmem>>
        %dma_wait3A_86 = arith.constant 0 : i32
        %dma_wait3A_87 = tpu.memref_slice %arg9[%add3A_33, %dma_wait3A_86] : memref<80x128xi32, #tpu.memory_space<vmem>> -> memref<1x128xi32, #tpu.memory_space<vmem>>
        %dma_wait3A_88 = tpu.memref_squeeze %dma_wait3A_87 : memref<1x128xi32, #tpu.memory_space<vmem>> -> memref<128xi32, #tpu.memory_space<vmem>>
        %dma_wait3A_89 = arith.constant 0 : i32
        %dma_wait3A_90 = arith.constant 0 : i32
        %dma_wait3A_91 = tpu.memref_slice %arg7[%dma_wait3A_89, %dma_wait3A_90] : memref<10240x64xf32, #tpu.memory_space<vmem_shared>> -> memref<10240x64xf32, #tpu.memory_space<vmem_shared>>
        tpu.wait_indirect_dma semaphore(%run_scoped3A_71 : memref<!tpu.dma_semaphore, #tpu.memory_space<semaphore_mem>>) src(%dma_wait3A_85 : memref<128x64xf32, #tpu.memory_space<vmem>>) dst(%dma_wait3A_91 : memref<10240x64xf32, #tpu.memory_space<vmem_shared>>)
        tpu.yield
      }) : () -> ()
      %mul3A_48 = arith.constant 2 : i32
      %mul3A_49 = arith.muli %mul3A_48, %scan3A_29 : i32
      %add3A_50 = arith.constant 1 : i32
      %add3A_51 = arith.addi %mul3A_49, %add3A_50 : i32
      %add3A_52 = arith.constant 1 : i32
      %add3A_53 = arith.addi %add3A_51, %add3A_52 : i32
      %lt3A_54 = arith.constant 80 : i32
      %lt3A_55 = arith.cmpi slt, %add3A_53, %lt3A_54 : i32
      %convert_element_type3A_56 = arith.extui %lt3A_55 : i1 to i32
      %cond3A_57 = arith.constant 0 : i32
      %cond3A_58 = arith.cmpi ne, %convert_element_type3A_56, %cond3A_57 : i32
      scf.if %cond3A_58 {
        %dma_start3A_71 = arith.constant 0 : i32
        %dma_start3A_72 = arith.constant 0 : i32
        %dma_start3A_73 = arith.constant 0 : i32
        %dma_start3A_74 = tpu.memref_slice %arg10[%dma_start3A_71, %dma_start3A_72, %dma_start3A_73] : memref<2x128x64xf32, #tpu.memory_space<vmem>> -> memref<1x128x64xf32, #tpu.memory_space<vmem>>
        %dma_start3A_75 = tpu.memref_squeeze %dma_start3A_74 : memref<1x128x64xf32, #tpu.memory_space<vmem>> -> memref<128x64xf32, #tpu.memory_space<vmem>>
        %dma_start3A_76 = arith.constant 0 : i32
        %dma_start3A_77 = tpu.memref_slice %arg8[%add3A_53, %dma_start3A_76] : memref<80x128xi32, #tpu.memory_space<vmem>> -> memref<1x128xi32, #tpu.memory_space<vmem>>
        %dma_start3A_78 = tpu.memref_squeeze %dma_start3A_77 : memref<1x128xi32, #tpu.memory_space<vmem>> -> memref<128xi32, #tpu.memory_space<vmem>>
        %dma_start3A_79 = arith.constant 0 : i32
        %dma_start3A_80 = arith.constant 0 : i32
        %dma_start3A_81 = tpu.memref_slice %arg4[%dma_start3A_79, %dma_start3A_80] : memref<10240x64xf32, #tpu.memory_space<hbm>> -> memref<10240x64xf32, #tpu.memory_space<hbm>>
        tpu.enqueue_indirect_dma source(%dma_start3A_81 : memref<10240x64xf32, #tpu.memory_space<hbm>>) target(%dma_start3A_75 : memref<128x64xf32, #tpu.memory_space<vmem>>) offsets(%dma_start3A_78 : memref<128xi32, #tpu.memory_space<vmem>>) semaphore(%arg11 : memref<!tpu.dma_semaphore, #tpu.memory_space<semaphore_mem>>)
      } else {
      }
      %dma_wait3A_59 = arith.constant 1 : i32
      %dma_wait3A_60 = arith.constant 0 : i32
      %dma_wait3A_61 = arith.constant 0 : i32
      %dma_wait3A_62 = tpu.memref_slice %arg10[%dma_wait3A_59, %dma_wait3A_60, %dma_wait3A_61] : memref<2x128x64xf32, #tpu.memory_space<vmem>> -> memref<1x128x64xf32, #tpu.memory_space<vmem>>
      %dma_wait3A_63 = tpu.memref_squeeze %dma_wait3A_62 : memref<1x128x64xf32, #tpu.memory_space<vmem>> -> memref<128x64xf32, #tpu.memory_space<vmem>>
      %dma_wait3A_64 = arith.constant 0 : i32
      %dma_wait3A_65 = tpu.memref_slice %arg8[%add3A_51, %dma_wait3A_64] : memref<80x128xi32, #tpu.memory_space<vmem>> -> memref<1x128xi32, #tpu.memory_space<vmem>>
      %dma_wait3A_66 = tpu.memref_squeeze %dma_wait3A_65 : memref<1x128xi32, #tpu.memory_space<vmem>> -> memref<128xi32, #tpu.memory_space<vmem>>
      %dma_wait3A_67 = arith.constant 0 : i32
      %dma_wait3A_68 = arith.constant 0 : i32
      %dma_wait3A_69 = tpu.memref_slice %arg4[%dma_wait3A_67, %dma_wait3A_68] : memref<10240x64xf32, #tpu.memory_space<hbm>> -> memref<10240x64xf32, #tpu.memory_space<hbm>>
      tpu.wait_indirect_dma semaphore(%arg12 : memref<!tpu.dma_semaphore, #tpu.memory_space<semaphore_mem>>) src(%dma_wait3A_69 : memref<10240x64xf32, #tpu.memory_space<hbm>>) dst(%dma_wait3A_63 : memref<128x64xf32, #tpu.memory_space<vmem>>)
      %run_scoped3A_70 = arith.constant 1 : i32
      "tpu.region"() ({
        %run_scoped3A_71 = tpu.sem_alloc : memref<!tpu.dma_semaphore, #tpu.memory_space<semaphore_mem>>
        %dma_start3A_72 = arith.constant 0 : i32
        %dma_start3A_73 = arith.constant 0 : i32
        %dma_start3A_74 = tpu.memref_slice %arg10[%run_scoped3A_70, %dma_start3A_72, %dma_start3A_73] : memref<2x128x64xf32, #tpu.memory_space<vmem>> -> memref<1x128x64xf32, #tpu.memory_space<vmem>>
        %dma_start3A_75 = tpu.memref_squeeze %dma_start3A_74 : memref<1x128x64xf32, #tpu.memory_space<vmem>> -> memref<128x64xf32, #tpu.memory_space<vmem>>
        %dma_start3A_76 = arith.constant 0 : i32
        %dma_start3A_77 = tpu.memref_slice %arg9[%add3A_51, %dma_start3A_76] : memref<80x128xi32, #tpu.memory_space<vmem>> -> memref<1x128xi32, #tpu.memory_space<vmem>>
        %dma_start3A_78 = tpu.memref_squeeze %dma_start3A_77 : memref<1x128xi32, #tpu.memory_space<vmem>> -> memref<128xi32, #tpu.memory_space<vmem>>
        %dma_start3A_79 = arith.constant 0 : i32
        %dma_start3A_80 = arith.constant 0 : i32
        %dma_start3A_81 = tpu.memref_slice %arg7[%dma_start3A_79, %dma_start3A_80] : memref<10240x64xf32, #tpu.memory_space<vmem_shared>> -> memref<10240x64xf32, #tpu.memory_space<vmem_shared>>
        tpu.enqueue_indirect_dma source(%dma_start3A_75 : memref<128x64xf32, #tpu.memory_space<vmem>>) target(%dma_start3A_81 : memref<10240x64xf32, #tpu.memory_space<vmem_shared>>) offsets(%dma_start3A_78 : memref<128xi32, #tpu.memory_space<vmem>>) semaphore(%run_scoped3A_71 : memref<!tpu.dma_semaphore, #tpu.memory_space<semaphore_mem>>) {add = true}
        %dma_wait3A_82 = arith.constant 0 : i32
        %dma_wait3A_83 = arith.constant 0 : i32
        %dma_wait3A_84 = tpu.memref_slice %arg10[%run_scoped3A_70, %dma_wait3A_82, %dma_wait3A_83] : memref<2x128x64xf32, #tpu.memory_space<vmem>> -> memref<1x128x64xf32, #tpu.memory_space<vmem>>
        %dma_wait3A_85 = tpu.memref_squeeze %dma_wait3A_84 : memref<1x128x64xf32, #tpu.memory_space<vmem>> -> memref<128x64xf32, #tpu.memory_space<vmem>>
        %dma_wait3A_86 = arith.constant 0 : i32
        %dma_wait3A_87 = tpu.memref_slice %arg9[%add3A_51, %dma_wait3A_86] : memref<80x128xi32, #tpu.memory_space<vmem>> -> memref<1x128xi32, #tpu.memory_space<vmem>>
        %dma_wait3A_88 = tpu.memref_squeeze %dma_wait3A_87 : memref<1x128xi32, #tpu.memory_space<vmem>> -> memref<128xi32, #tpu.memory_space<vmem>>
        %dma_wait3A_89 = arith.constant 0 : i32
        %dma_wait3A_90 = arith.constant 0 : i32
        %dma_wait3A_91 = tpu.memref_slice %arg7[%dma_wait3A_89, %dma_wait3A_90] : memref<10240x64xf32, #tpu.memory_space<vmem_shared>> -> memref<10240x64xf32, #tpu.memory_space<vmem_shared>>
        tpu.wait_indirect_dma semaphore(%run_scoped3A_71 : memref<!tpu.dma_semaphore, #tpu.memory_space<semaphore_mem>>) src(%dma_wait3A_85 : memref<128x64xf32, #tpu.memory_space<vmem>>) dst(%dma_wait3A_91 : memref<10240x64xf32, #tpu.memory_space<vmem_shared>>)
        tpu.yield
      }) : () -> ()
    }
    %scan3A_23 = arith.constant 40 : i32
    %barrier3A_24 = arith.constant 0 : index
    tpu.barrier barrier_id(%barrier3A_24)
    %mul3A_25 = arith.constant 640 : i32
    %mul3A_26 = arith.muli %arg1, %mul3A_25 : i32
    %mul3A_27 = arith.constant 640 : i32
    %mul3A_28 = arith.muli %arg1, %mul3A_27 : i32
    "tpu.region"() ({
      %run_scoped3A = tpu.sem_alloc : memref<!tpu.dma_semaphore, #tpu.memory_space<semaphore_mem>>
      %dma_start3A_29 = arith.constant 0 : i32
      %dma_start3A_30 = tpu.memref_slice %arg6[%arg0, %mul3A_28, %dma_start3A_29] : memref<2x10240x64xf32, #tpu.memory_space<hbm>> -> memref<1x640x64xf32, #tpu.memory_space<hbm>>
      %dma_start3A_31 = tpu.memref_squeeze %dma_start3A_30 : memref<1x640x64xf32, #tpu.memory_space<hbm>> -> memref<640x64xf32, #tpu.memory_space<hbm>>
      %dma_start3A_32 = arith.constant 0 : i32
      %dma_start3A_33 = tpu.memref_slice %arg7[%mul3A_26, %dma_start3A_32] : memref<10240x64xf32, #tpu.memory_space<vmem_shared>> -> memref<640x64xf32, #tpu.memory_space<vmem_shared>>
      tpu.enqueue_dma source(%dma_start3A_33 : memref<640x64xf32, #tpu.memory_space<vmem_shared>>) target(%dma_start3A_31 : memref<640x64xf32, #tpu.memory_space<hbm>>) target_semaphore(%run_scoped3A : memref<!tpu.dma_semaphore, #tpu.memory_space<semaphore_mem>>)
      %dma_wait3A = arith.constant 0 : i32
      %dma_wait3A_34 = tpu.memref_slice %arg6[%arg0, %mul3A_28, %dma_wait3A] : memref<2x10240x64xf32, #tpu.memory_space<hbm>> -> memref<1x640x64xf32, #tpu.memory_space<hbm>>
      %dma_wait3A_35 = tpu.memref_squeeze %dma_wait3A_34 : memref<1x640x64xf32, #tpu.memory_space<hbm>> -> memref<640x64xf32, #tpu.memory_space<hbm>>
      %dma_wait3A_36 = arith.constant 0 : i32
      %dma_wait3A_37 = tpu.memref_slice %arg7[%mul3A_26, %dma_wait3A_36] : memref<10240x64xf32, #tpu.memory_space<vmem_shared>> -> memref<640x64xf32, #tpu.memory_space<vmem_shared>>
      tpu.wait_dma2 semaphore(%run_scoped3A : memref<!tpu.dma_semaphore, #tpu.memory_space<semaphore_mem>>) src(%dma_wait3A_37 : memref<640x64xf32, #tpu.memory_space<vmem_shared>>) dst(%dma_wait3A_35 : memref<640x64xf32, #tpu.memory_space<hbm>>)
      tpu.yield
    }) : () -> ()
    return
  }
}

#map = affine_map<(d0, d1) -> (0, 0)>
#map1 = affine_map<(d0, d1) -> (0, 0, 0)>
module attributes {stable_mosaic.version = 14 : i64} {
  func.func @_sc_agg(%arg0: i32, %arg1: i32, %arg2: memref<2560x128xi32, #tpu.memory_space<hbm>>, %arg3: memref<2560x128xi32, #tpu.memory_space<hbm>>, %arg4: memref<10240x64xf32, #tpu.memory_space<hbm>>, %arg5: memref<10240x64xf32, #tpu.memory_space<hbm>>, %arg6: memref<2x10240x64xf32, #tpu.memory_space<hbm>>, %arg7: memref<10240x64xf32, #tpu.memory_space<vmem_shared>>, %arg8: memref<80x128xi32, #tpu.memory_space<vmem>>, %arg9: memref<80x128xi32, #tpu.memory_space<vmem>>, %arg10: memref<2x128x64xf32, #tpu.memory_space<vmem>>, %arg11: memref<!tpu.dma_semaphore, #tpu.memory_space<semaphore_mem>>, %arg12: memref<!tpu.dma_semaphore, #tpu.memory_space<semaphore_mem>>) attributes {dimension_semantics = [#tpu.dimension_semantics<core_parallel>, #tpu.dimension_semantics<subcore_parallel>], iteration_bounds = array<i64: 2, 16>, scalar_prefetch = 0 : i64, scratch_operands = 6 : i64, tpu.core_type = #tpu.core_type<sc_vector_subcore>, window_params = [{transform_indices = #map}, {transform_indices = #map}, {transform_indices = #map}, {transform_indices = #map}, {transform_indices = #map1}]} {
    %mul3A = arith.constant 16 : i32
    %mul3A_0 = arith.muli %arg0, %mul3A : i32
    %add3A = arith.addi %mul3A_0, %arg1 : i32
    %mul3A_1 = arith.constant 640 : i32
    %mul3A_2 = arith.muli %arg1, %mul3A_1 : i32
    %mul3A_3 = arith.constant 640 : i32
    %mul3A_4 = arith.muli %arg1, %mul3A_3 : i32
    "tpu.region"() ({
      %run_scoped3A = tpu.sem_alloc : memref<!tpu.dma_semaphore, #tpu.memory_space<semaphore_mem>>
      %dma_start3A_29 = arith.constant 0 : i32
      %dma_start3A_30 = tpu.memref_slice %arg7[%mul3A_4, %dma_start3A_29] : memref<10240x64xf32, #tpu.memory_space<vmem_shared>> -> memref<640x64xf32, #tpu.memory_space<vmem_shared>>
      %dma_start3A_31 = arith.constant 0 : i32
      %dma_start3A_32 = tpu.memref_slice %arg5[%mul3A_2, %dma_start3A_31] : memref<10240x64xf32, #tpu.memory_space<hbm>> -> memref<640x64xf32, #tpu.memory_space<hbm>>
      tpu.enqueue_dma source(%dma_start3A_32 : memref<640x64xf32, #tpu.memory_space<hbm>>) target(%dma_start3A_30 : memref<640x64xf32, #tpu.memory_space<vmem_shared>>) target_semaphore(%run_scoped3A : memref<!tpu.dma_semaphore, #tpu.memory_space<semaphore_mem>>)
      %dma_wait3A = arith.constant 0 : i32
      %dma_wait3A_33 = tpu.memref_slice %arg7[%mul3A_4, %dma_wait3A] : memref<10240x64xf32, #tpu.memory_space<vmem_shared>> -> memref<640x64xf32, #tpu.memory_space<vmem_shared>>
      %dma_wait3A_34 = arith.constant 0 : i32
      %dma_wait3A_35 = tpu.memref_slice %arg5[%mul3A_2, %dma_wait3A_34] : memref<10240x64xf32, #tpu.memory_space<hbm>> -> memref<640x64xf32, #tpu.memory_space<hbm>>
      tpu.wait_dma2 semaphore(%run_scoped3A : memref<!tpu.dma_semaphore, #tpu.memory_space<semaphore_mem>>) src(%dma_wait3A_35 : memref<640x64xf32, #tpu.memory_space<hbm>>) dst(%dma_wait3A_33 : memref<640x64xf32, #tpu.memory_space<vmem_shared>>)
      tpu.yield
    }) : () -> ()
    %mul3A_5 = arith.constant 80 : i32
    %mul3A_6 = arith.muli %add3A, %mul3A_5 : i32
    "tpu.region"() ({
      %run_scoped3A = tpu.sem_alloc : memref<!tpu.dma_semaphore, #tpu.memory_space<semaphore_mem>>
      %dma_start3A_29 = arith.constant 0 : i32
      %dma_start3A_30 = tpu.memref_slice %arg2[%mul3A_6, %dma_start3A_29] : memref<2560x128xi32, #tpu.memory_space<hbm>> -> memref<80x128xi32, #tpu.memory_space<hbm>>
      %dma_start3A_31 = arith.constant 0 : i32
      %dma_start3A_32 = tpu.memref_slice %arg2[%mul3A_6, %dma_start3A_31] : memref<2560x128xi32, #tpu.memory_space<hbm>> -> memref<80x128xi32, #tpu.memory_space<hbm>>
      tpu.enqueue_dma source(%dma_start3A_32 : memref<80x128xi32, #tpu.memory_space<hbm>>) target(%arg8 : memref<80x128xi32, #tpu.memory_space<vmem>>) target_semaphore(%run_scoped3A : memref<!tpu.dma_semaphore, #tpu.memory_space<semaphore_mem>>)
      %dma_wait3A = arith.constant 0 : i32
      %dma_wait3A_33 = tpu.memref_slice %arg2[%mul3A_6, %dma_wait3A] : memref<2560x128xi32, #tpu.memory_space<hbm>> -> memref<80x128xi32, #tpu.memory_space<hbm>>
      %dma_wait3A_34 = arith.constant 0 : i32
      %dma_wait3A_35 = tpu.memref_slice %arg2[%mul3A_6, %dma_wait3A_34] : memref<2560x128xi32, #tpu.memory_space<hbm>> -> memref<80x128xi32, #tpu.memory_space<hbm>>
      tpu.wait_dma2 semaphore(%run_scoped3A : memref<!tpu.dma_semaphore, #tpu.memory_space<semaphore_mem>>) src(%dma_wait3A_35 : memref<80x128xi32, #tpu.memory_space<hbm>>) dst(%arg8 : memref<80x128xi32, #tpu.memory_space<vmem>>)
      tpu.yield
    }) : () -> ()
    %mul3A_7 = arith.constant 80 : i32
    %mul3A_8 = arith.muli %add3A, %mul3A_7 : i32
    "tpu.region"() ({
      %run_scoped3A = tpu.sem_alloc : memref<!tpu.dma_semaphore, #tpu.memory_space<semaphore_mem>>
      %dma_start3A_29 = arith.constant 0 : i32
      %dma_start3A_30 = tpu.memref_slice %arg3[%mul3A_8, %dma_start3A_29] : memref<2560x128xi32, #tpu.memory_space<hbm>> -> memref<80x128xi32, #tpu.memory_space<hbm>>
      %dma_start3A_31 = arith.constant 0 : i32
      %dma_start3A_32 = tpu.memref_slice %arg3[%mul3A_8, %dma_start3A_31] : memref<2560x128xi32, #tpu.memory_space<hbm>> -> memref<80x128xi32, #tpu.memory_space<hbm>>
      tpu.enqueue_dma source(%dma_start3A_32 : memref<80x128xi32, #tpu.memory_space<hbm>>) target(%arg9 : memref<80x128xi32, #tpu.memory_space<vmem>>) target_semaphore(%run_scoped3A : memref<!tpu.dma_semaphore, #tpu.memory_space<semaphore_mem>>)
      %dma_wait3A = arith.constant 0 : i32
      %dma_wait3A_33 = tpu.memref_slice %arg3[%mul3A_8, %dma_wait3A] : memref<2560x128xi32, #tpu.memory_space<hbm>> -> memref<80x128xi32, #tpu.memory_space<hbm>>
      %dma_wait3A_34 = arith.constant 0 : i32
      %dma_wait3A_35 = tpu.memref_slice %arg3[%mul3A_8, %dma_wait3A_34] : memref<2560x128xi32, #tpu.memory_space<hbm>> -> memref<80x128xi32, #tpu.memory_space<hbm>>
      tpu.wait_dma2 semaphore(%run_scoped3A : memref<!tpu.dma_semaphore, #tpu.memory_space<semaphore_mem>>) src(%dma_wait3A_35 : memref<80x128xi32, #tpu.memory_space<hbm>>) dst(%arg9 : memref<80x128xi32, #tpu.memory_space<vmem>>)
      tpu.yield
    }) : () -> ()
    %barrier3A = arith.constant 0 : index
    tpu.barrier barrier_id(%barrier3A)
    %dma_start3A = arith.constant 0 : i32
    %dma_start3A_9 = arith.constant 0 : i32
    %dma_start3A_10 = arith.constant 0 : i32
    %dma_start3A_11 = arith.constant 0 : i32
    %dma_start3A_12 = tpu.memref_slice %arg10[%dma_start3A_9, %dma_start3A_10, %dma_start3A_11] : memref<2x128x64xf32, #tpu.memory_space<vmem>> -> memref<1x128x64xf32, #tpu.memory_space<vmem>>
    %dma_start3A_13 = tpu.memref_squeeze %dma_start3A_12 : memref<1x128x64xf32, #tpu.memory_space<vmem>> -> memref<128x64xf32, #tpu.memory_space<vmem>>
    %dma_start3A_14 = arith.constant 0 : i32
    %dma_start3A_15 = tpu.memref_slice %arg8[%dma_start3A, %dma_start3A_14] : memref<80x128xi32, #tpu.memory_space<vmem>> -> memref<1x128xi32, #tpu.memory_space<vmem>>
    %dma_start3A_16 = tpu.memref_squeeze %dma_start3A_15 : memref<1x128xi32, #tpu.memory_space<vmem>> -> memref<128xi32, #tpu.memory_space<vmem>>
    %dma_start3A_17 = arith.constant 0 : i32
    %dma_start3A_18 = arith.constant 0 : i32
    %dma_start3A_19 = tpu.memref_slice %arg4[%dma_start3A_17, %dma_start3A_18] : memref<10240x64xf32, #tpu.memory_space<hbm>> -> memref<10240x64xf32, #tpu.memory_space<hbm>>
    tpu.enqueue_indirect_dma source(%dma_start3A_19 : memref<10240x64xf32, #tpu.memory_space<hbm>>) target(%dma_start3A_13 : memref<128x64xf32, #tpu.memory_space<vmem>>) offsets(%dma_start3A_16 : memref<128xi32, #tpu.memory_space<vmem>>) semaphore(%arg11 : memref<!tpu.dma_semaphore, #tpu.memory_space<semaphore_mem>>)
    %scan3A = arith.constant 0 : i32
    %scan3A_20 = arith.constant 40 : i32
    %scan3A_21 = arith.addi %scan3A, %scan3A_20 : i32
    %scan3A_22 = arith.constant 1 : i32
    scf.for %scan3A_29 = %scan3A to %scan3A_21 step %scan3A_22  : i32 {
      %mul3A_30 = arith.constant 2 : i32
      %mul3A_31 = arith.muli %mul3A_30, %scan3A_29 : i32
      %add3A_32 = arith.constant 0 : i32
      %add3A_33 = arith.addi %mul3A_31, %add3A_32 : i32
      %add3A_34 = arith.constant 1 : i32
      %add3A_35 = arith.addi %add3A_33, %add3A_34 : i32
      %lt3A = arith.constant 80 : i32
      %lt3A_36 = arith.cmpi slt, %add3A_35, %lt3A : i32
      %convert_element_type3A = arith.extui %lt3A_36 : i1 to i32
      %cond3A = arith.constant 0 : i32
      %cond3A_37 = arith.cmpi ne, %convert_element_type3A, %cond3A : i32
      scf.if %cond3A_37 {
        %dma_start3A_71 = arith.constant 1 : i32
        %dma_start3A_72 = arith.constant 0 : i32
        %dma_start3A_73 = arith.constant 0 : i32
        %dma_start3A_74 = tpu.memref_slice %arg10[%dma_start3A_71, %dma_start3A_72, %dma_start3A_73] : memref<2x128x64xf32, #tpu.memory_space<vmem>> -> memref<1x128x64xf32, #tpu.memory_space<vmem>>
        %dma_start3A_75 = tpu.memref_squeeze %dma_start3A_74 : memref<1x128x64xf32, #tpu.memory_space<vmem>> -> memref<128x64xf32, #tpu.memory_space<vmem>>
        %dma_start3A_76 = arith.constant 0 : i32
        %dma_start3A_77 = tpu.memref_slice %arg8[%add3A_35, %dma_start3A_76] : memref<80x128xi32, #tpu.memory_space<vmem>> -> memref<1x128xi32, #tpu.memory_space<vmem>>
        %dma_start3A_78 = tpu.memref_squeeze %dma_start3A_77 : memref<1x128xi32, #tpu.memory_space<vmem>> -> memref<128xi32, #tpu.memory_space<vmem>>
        %dma_start3A_79 = arith.constant 0 : i32
        %dma_start3A_80 = arith.constant 0 : i32
        %dma_start3A_81 = tpu.memref_slice %arg4[%dma_start3A_79, %dma_start3A_80] : memref<10240x64xf32, #tpu.memory_space<hbm>> -> memref<10240x64xf32, #tpu.memory_space<hbm>>
        tpu.enqueue_indirect_dma source(%dma_start3A_81 : memref<10240x64xf32, #tpu.memory_space<hbm>>) target(%dma_start3A_75 : memref<128x64xf32, #tpu.memory_space<vmem>>) offsets(%dma_start3A_78 : memref<128xi32, #tpu.memory_space<vmem>>) semaphore(%arg12 : memref<!tpu.dma_semaphore, #tpu.memory_space<semaphore_mem>>)
      } else {
      }
      %dma_wait3A = arith.constant 0 : i32
      %dma_wait3A_38 = arith.constant 0 : i32
      %dma_wait3A_39 = arith.constant 0 : i32
      %dma_wait3A_40 = tpu.memref_slice %arg10[%dma_wait3A, %dma_wait3A_38, %dma_wait3A_39] : memref<2x128x64xf32, #tpu.memory_space<vmem>> -> memref<1x128x64xf32, #tpu.memory_space<vmem>>
      %dma_wait3A_41 = tpu.memref_squeeze %dma_wait3A_40 : memref<1x128x64xf32, #tpu.memory_space<vmem>> -> memref<128x64xf32, #tpu.memory_space<vmem>>
      %dma_wait3A_42 = arith.constant 0 : i32
      %dma_wait3A_43 = tpu.memref_slice %arg8[%add3A_33, %dma_wait3A_42] : memref<80x128xi32, #tpu.memory_space<vmem>> -> memref<1x128xi32, #tpu.memory_space<vmem>>
      %dma_wait3A_44 = tpu.memref_squeeze %dma_wait3A_43 : memref<1x128xi32, #tpu.memory_space<vmem>> -> memref<128xi32, #tpu.memory_space<vmem>>
      %dma_wait3A_45 = arith.constant 0 : i32
      %dma_wait3A_46 = arith.constant 0 : i32
      %dma_wait3A_47 = tpu.memref_slice %arg4[%dma_wait3A_45, %dma_wait3A_46] : memref<10240x64xf32, #tpu.memory_space<hbm>> -> memref<10240x64xf32, #tpu.memory_space<hbm>>
      tpu.wait_indirect_dma semaphore(%arg11 : memref<!tpu.dma_semaphore, #tpu.memory_space<semaphore_mem>>) src(%dma_wait3A_47 : memref<10240x64xf32, #tpu.memory_space<hbm>>) dst(%dma_wait3A_41 : memref<128x64xf32, #tpu.memory_space<vmem>>)
      %run_scoped3A = arith.constant 0 : i32
      "tpu.region"() ({
        %run_scoped3A_71 = tpu.sem_alloc : memref<!tpu.dma_semaphore, #tpu.memory_space<semaphore_mem>>
        %dma_start3A_72 = arith.constant 0 : i32
        %dma_start3A_73 = arith.constant 0 : i32
        %dma_start3A_74 = tpu.memref_slice %arg10[%run_scoped3A, %dma_start3A_72, %dma_start3A_73] : memref<2x128x64xf32, #tpu.memory_space<vmem>> -> memref<1x128x64xf32, #tpu.memory_space<vmem>>
        %dma_start3A_75 = tpu.memref_squeeze %dma_start3A_74 : memref<1x128x64xf32, #tpu.memory_space<vmem>> -> memref<128x64xf32, #tpu.memory_space<vmem>>
        %dma_start3A_76 = arith.constant 0 : i32
        %dma_start3A_77 = tpu.memref_slice %arg9[%add3A_33, %dma_start3A_76] : memref<80x128xi32, #tpu.memory_space<vmem>> -> memref<1x128xi32, #tpu.memory_space<vmem>>
        %dma_start3A_78 = tpu.memref_squeeze %dma_start3A_77 : memref<1x128xi32, #tpu.memory_space<vmem>> -> memref<128xi32, #tpu.memory_space<vmem>>
        %dma_start3A_79 = arith.constant 0 : i32
        %dma_start3A_80 = arith.constant 0 : i32
        %dma_start3A_81 = tpu.memref_slice %arg7[%dma_start3A_79, %dma_start3A_80] : memref<10240x64xf32, #tpu.memory_space<vmem_shared>> -> memref<10240x64xf32, #tpu.memory_space<vmem_shared>>
        tpu.enqueue_indirect_dma source(%dma_start3A_75 : memref<128x64xf32, #tpu.memory_space<vmem>>) target(%dma_start3A_81 : memref<10240x64xf32, #tpu.memory_space<vmem_shared>>) offsets(%dma_start3A_78 : memref<128xi32, #tpu.memory_space<vmem>>) semaphore(%run_scoped3A_71 : memref<!tpu.dma_semaphore, #tpu.memory_space<semaphore_mem>>) {add = true}
        %dma_wait3A_82 = arith.constant 0 : i32
        %dma_wait3A_83 = arith.constant 0 : i32
        %dma_wait3A_84 = tpu.memref_slice %arg10[%run_scoped3A, %dma_wait3A_82, %dma_wait3A_83] : memref<2x128x64xf32, #tpu.memory_space<vmem>> -> memref<1x128x64xf32, #tpu.memory_space<vmem>>
        %dma_wait3A_85 = tpu.memref_squeeze %dma_wait3A_84 : memref<1x128x64xf32, #tpu.memory_space<vmem>> -> memref<128x64xf32, #tpu.memory_space<vmem>>
        %dma_wait3A_86 = arith.constant 0 : i32
        %dma_wait3A_87 = tpu.memref_slice %arg9[%add3A_33, %dma_wait3A_86] : memref<80x128xi32, #tpu.memory_space<vmem>> -> memref<1x128xi32, #tpu.memory_space<vmem>>
        %dma_wait3A_88 = tpu.memref_squeeze %dma_wait3A_87 : memref<1x128xi32, #tpu.memory_space<vmem>> -> memref<128xi32, #tpu.memory_space<vmem>>
        %dma_wait3A_89 = arith.constant 0 : i32
        %dma_wait3A_90 = arith.constant 0 : i32
        %dma_wait3A_91 = tpu.memref_slice %arg7[%dma_wait3A_89, %dma_wait3A_90] : memref<10240x64xf32, #tpu.memory_space<vmem_shared>> -> memref<10240x64xf32, #tpu.memory_space<vmem_shared>>
        tpu.wait_indirect_dma semaphore(%run_scoped3A_71 : memref<!tpu.dma_semaphore, #tpu.memory_space<semaphore_mem>>) src(%dma_wait3A_85 : memref<128x64xf32, #tpu.memory_space<vmem>>) dst(%dma_wait3A_91 : memref<10240x64xf32, #tpu.memory_space<vmem_shared>>)
        tpu.yield
      }) : () -> ()
      %mul3A_48 = arith.constant 2 : i32
      %mul3A_49 = arith.muli %mul3A_48, %scan3A_29 : i32
      %add3A_50 = arith.constant 1 : i32
      %add3A_51 = arith.addi %mul3A_49, %add3A_50 : i32
      %add3A_52 = arith.constant 1 : i32
      %add3A_53 = arith.addi %add3A_51, %add3A_52 : i32
      %lt3A_54 = arith.constant 80 : i32
      %lt3A_55 = arith.cmpi slt, %add3A_53, %lt3A_54 : i32
      %convert_element_type3A_56 = arith.extui %lt3A_55 : i1 to i32
      %cond3A_57 = arith.constant 0 : i32
      %cond3A_58 = arith.cmpi ne, %convert_element_type3A_56, %cond3A_57 : i32
      scf.if %cond3A_58 {
        %dma_start3A_71 = arith.constant 0 : i32
        %dma_start3A_72 = arith.constant 0 : i32
        %dma_start3A_73 = arith.constant 0 : i32
        %dma_start3A_74 = tpu.memref_slice %arg10[%dma_start3A_71, %dma_start3A_72, %dma_start3A_73] : memref<2x128x64xf32, #tpu.memory_space<vmem>> -> memref<1x128x64xf32, #tpu.memory_space<vmem>>
        %dma_start3A_75 = tpu.memref_squeeze %dma_start3A_74 : memref<1x128x64xf32, #tpu.memory_space<vmem>> -> memref<128x64xf32, #tpu.memory_space<vmem>>
        %dma_start3A_76 = arith.constant 0 : i32
        %dma_start3A_77 = tpu.memref_slice %arg8[%add3A_53, %dma_start3A_76] : memref<80x128xi32, #tpu.memory_space<vmem>> -> memref<1x128xi32, #tpu.memory_space<vmem>>
        %dma_start3A_78 = tpu.memref_squeeze %dma_start3A_77 : memref<1x128xi32, #tpu.memory_space<vmem>> -> memref<128xi32, #tpu.memory_space<vmem>>
        %dma_start3A_79 = arith.constant 0 : i32
        %dma_start3A_80 = arith.constant 0 : i32
        %dma_start3A_81 = tpu.memref_slice %arg4[%dma_start3A_79, %dma_start3A_80] : memref<10240x64xf32, #tpu.memory_space<hbm>> -> memref<10240x64xf32, #tpu.memory_space<hbm>>
        tpu.enqueue_indirect_dma source(%dma_start3A_81 : memref<10240x64xf32, #tpu.memory_space<hbm>>) target(%dma_start3A_75 : memref<128x64xf32, #tpu.memory_space<vmem>>) offsets(%dma_start3A_78 : memref<128xi32, #tpu.memory_space<vmem>>) semaphore(%arg11 : memref<!tpu.dma_semaphore, #tpu.memory_space<semaphore_mem>>)
      } else {
      }
      %dma_wait3A_59 = arith.constant 1 : i32
      %dma_wait3A_60 = arith.constant 0 : i32
      %dma_wait3A_61 = arith.constant 0 : i32
      %dma_wait3A_62 = tpu.memref_slice %arg10[%dma_wait3A_59, %dma_wait3A_60, %dma_wait3A_61] : memref<2x128x64xf32, #tpu.memory_space<vmem>> -> memref<1x128x64xf32, #tpu.memory_space<vmem>>
      %dma_wait3A_63 = tpu.memref_squeeze %dma_wait3A_62 : memref<1x128x64xf32, #tpu.memory_space<vmem>> -> memref<128x64xf32, #tpu.memory_space<vmem>>
      %dma_wait3A_64 = arith.constant 0 : i32
      %dma_wait3A_65 = tpu.memref_slice %arg8[%add3A_51, %dma_wait3A_64] : memref<80x128xi32, #tpu.memory_space<vmem>> -> memref<1x128xi32, #tpu.memory_space<vmem>>
      %dma_wait3A_66 = tpu.memref_squeeze %dma_wait3A_65 : memref<1x128xi32, #tpu.memory_space<vmem>> -> memref<128xi32, #tpu.memory_space<vmem>>
      %dma_wait3A_67 = arith.constant 0 : i32
      %dma_wait3A_68 = arith.constant 0 : i32
      %dma_wait3A_69 = tpu.memref_slice %arg4[%dma_wait3A_67, %dma_wait3A_68] : memref<10240x64xf32, #tpu.memory_space<hbm>> -> memref<10240x64xf32, #tpu.memory_space<hbm>>
      tpu.wait_indirect_dma semaphore(%arg12 : memref<!tpu.dma_semaphore, #tpu.memory_space<semaphore_mem>>) src(%dma_wait3A_69 : memref<10240x64xf32, #tpu.memory_space<hbm>>) dst(%dma_wait3A_63 : memref<128x64xf32, #tpu.memory_space<vmem>>)
      %run_scoped3A_70 = arith.constant 1 : i32
      "tpu.region"() ({
        %run_scoped3A_71 = tpu.sem_alloc : memref<!tpu.dma_semaphore, #tpu.memory_space<semaphore_mem>>
        %dma_start3A_72 = arith.constant 0 : i32
        %dma_start3A_73 = arith.constant 0 : i32
        %dma_start3A_74 = tpu.memref_slice %arg10[%run_scoped3A_70, %dma_start3A_72, %dma_start3A_73] : memref<2x128x64xf32, #tpu.memory_space<vmem>> -> memref<1x128x64xf32, #tpu.memory_space<vmem>>
        %dma_start3A_75 = tpu.memref_squeeze %dma_start3A_74 : memref<1x128x64xf32, #tpu.memory_space<vmem>> -> memref<128x64xf32, #tpu.memory_space<vmem>>
        %dma_start3A_76 = arith.constant 0 : i32
        %dma_start3A_77 = tpu.memref_slice %arg9[%add3A_51, %dma_start3A_76] : memref<80x128xi32, #tpu.memory_space<vmem>> -> memref<1x128xi32, #tpu.memory_space<vmem>>
        %dma_start3A_78 = tpu.memref_squeeze %dma_start3A_77 : memref<1x128xi32, #tpu.memory_space<vmem>> -> memref<128xi32, #tpu.memory_space<vmem>>
        %dma_start3A_79 = arith.constant 0 : i32
        %dma_start3A_80 = arith.constant 0 : i32
        %dma_start3A_81 = tpu.memref_slice %arg7[%dma_start3A_79, %dma_start3A_80] : memref<10240x64xf32, #tpu.memory_space<vmem_shared>> -> memref<10240x64xf32, #tpu.memory_space<vmem_shared>>
        tpu.enqueue_indirect_dma source(%dma_start3A_75 : memref<128x64xf32, #tpu.memory_space<vmem>>) target(%dma_start3A_81 : memref<10240x64xf32, #tpu.memory_space<vmem_shared>>) offsets(%dma_start3A_78 : memref<128xi32, #tpu.memory_space<vmem>>) semaphore(%run_scoped3A_71 : memref<!tpu.dma_semaphore, #tpu.memory_space<semaphore_mem>>) {add = true}
        %dma_wait3A_82 = arith.constant 0 : i32
        %dma_wait3A_83 = arith.constant 0 : i32
        %dma_wait3A_84 = tpu.memref_slice %arg10[%run_scoped3A_70, %dma_wait3A_82, %dma_wait3A_83] : memref<2x128x64xf32, #tpu.memory_space<vmem>> -> memref<1x128x64xf32, #tpu.memory_space<vmem>>
        %dma_wait3A_85 = tpu.memref_squeeze %dma_wait3A_84 : memref<1x128x64xf32, #tpu.memory_space<vmem>> -> memref<128x64xf32, #tpu.memory_space<vmem>>
        %dma_wait3A_86 = arith.constant 0 : i32
        %dma_wait3A_87 = tpu.memref_slice %arg9[%add3A_51, %dma_wait3A_86] : memref<80x128xi32, #tpu.memory_space<vmem>> -> memref<1x128xi32, #tpu.memory_space<vmem>>
        %dma_wait3A_88 = tpu.memref_squeeze %dma_wait3A_87 : memref<1x128xi32, #tpu.memory_space<vmem>> -> memref<128xi32, #tpu.memory_space<vmem>>
        %dma_wait3A_89 = arith.constant 0 : i32
        %dma_wait3A_90 = arith.constant 0 : i32
        %dma_wait3A_91 = tpu.memref_slice %arg7[%dma_wait3A_89, %dma_wait3A_90] : memref<10240x64xf32, #tpu.memory_space<vmem_shared>> -> memref<10240x64xf32, #tpu.memory_space<vmem_shared>>
        tpu.wait_indirect_dma semaphore(%run_scoped3A_71 : memref<!tpu.dma_semaphore, #tpu.memory_space<semaphore_mem>>) src(%dma_wait3A_85 : memref<128x64xf32, #tpu.memory_space<vmem>>) dst(%dma_wait3A_91 : memref<10240x64xf32, #tpu.memory_space<vmem_shared>>)
        tpu.yield
      }) : () -> ()
    }
    %scan3A_23 = arith.constant 40 : i32
    %barrier3A_24 = arith.constant 0 : index
    tpu.barrier barrier_id(%barrier3A_24)
    %mul3A_25 = arith.constant 640 : i32
    %mul3A_26 = arith.muli %arg1, %mul3A_25 : i32
    %mul3A_27 = arith.constant 640 : i32
    %mul3A_28 = arith.muli %arg1, %mul3A_27 : i32
    "tpu.region"() ({
      %run_scoped3A = tpu.sem_alloc : memref<!tpu.dma_semaphore, #tpu.memory_space<semaphore_mem>>
      %dma_start3A_29 = arith.constant 0 : i32
      %dma_start3A_30 = tpu.memref_slice %arg6[%arg0, %mul3A_28, %dma_start3A_29] : memref<2x10240x64xf32, #tpu.memory_space<hbm>> -> memref<1x640x64xf32, #tpu.memory_space<hbm>>
      %dma_start3A_31 = tpu.memref_squeeze %dma_start3A_30 : memref<1x640x64xf32, #tpu.memory_space<hbm>> -> memref<640x64xf32, #tpu.memory_space<hbm>>
      %dma_start3A_32 = arith.constant 0 : i32
      %dma_start3A_33 = tpu.memref_slice %arg7[%mul3A_26, %dma_start3A_32] : memref<10240x64xf32, #tpu.memory_space<vmem_shared>> -> memref<640x64xf32, #tpu.memory_space<vmem_shared>>
      tpu.enqueue_dma source(%dma_start3A_33 : memref<640x64xf32, #tpu.memory_space<vmem_shared>>) target(%dma_start3A_31 : memref<640x64xf32, #tpu.memory_space<hbm>>) target_semaphore(%run_scoped3A : memref<!tpu.dma_semaphore, #tpu.memory_space<semaphore_mem>>)
      %dma_wait3A = arith.constant 0 : i32
      %dma_wait3A_34 = tpu.memref_slice %arg6[%arg0, %mul3A_28, %dma_wait3A] : memref<2x10240x64xf32, #tpu.memory_space<hbm>> -> memref<1x640x64xf32, #tpu.memory_space<hbm>>
      %dma_wait3A_35 = tpu.memref_squeeze %dma_wait3A_34 : memref<1x640x64xf32, #tpu.memory_space<hbm>> -> memref<640x64xf32, #tpu.memory_space<hbm>>
      %dma_wait3A_36 = arith.constant 0 : i32
      %dma_wait3A_37 = tpu.memref_slice %arg7[%mul3A_26, %dma_wait3A_36] : memref<10240x64xf32, #tpu.memory_space<vmem_shared>> -> memref<640x64xf32, #tpu.memory_space<vmem_shared>>
      tpu.wait_dma2 semaphore(%run_scoped3A : memref<!tpu.dma_semaphore, #tpu.memory_space<semaphore_mem>>) src(%dma_wait3A_37 : memref<640x64xf32, #tpu.memory_space<vmem_shared>>) dst(%dma_wait3A_35 : memref<640x64xf32, #tpu.memory_space<hbm>>)
      tpu.yield
    }) : () -> ()
    return
  }
}

module attributes {stable_mosaic.version = 14 : i64} {
  func.func @_tc1_body(%arg0: i32, %arg1: memref<32x10240xf32, #tpu.memory_space<vmem>>, %arg2: memref<1024x128xf32, #tpu.memory_space<vmem>>, %arg3: memref<128x64xf32, #tpu.memory_space<vmem>>, %arg4: memref<1024x64xf32, #tpu.memory_space<vmem>>) attributes {dimension_semantics = [#tpu.dimension_semantics<arbitrary>], iteration_bounds = array<i64: 10>, scalar_prefetch = 0 : i64, scratch_operands = 0 : i64, tpu.core_type = #tpu.core_type<tc>, window_params = [{pipeline_mode = #tpu.pipeline_mode<synchronous>, transform_indices = @transform_0, window_bounds = array<i64: 32, 10240>}, {transform_indices = @transform_1, window_bounds = array<i64: 1024, 128>}, {pipeline_mode = #tpu.pipeline_mode<synchronous>, transform_indices = @transform_2, window_bounds = array<i64: 128, 64>}, {transform_indices = @transform_3, window_bounds = array<i64: 1024, 64>}]} {
    %mul3A = arith.constant 1024 : i32
    %mul3A_0 = arith.muli %arg0, %mul3A : i32
    %get3A = arith.constant 0 : index
    %get3A_1 = arith.index_cast %mul3A_0 : i32 to index
    %get3A_2 = vector.load %arg1[%get3A, %get3A_1] : memref<32x10240xf32, #tpu.memory_space<vmem>>, vector<32x1024xf32>
    %reduce_sum3A = arith.constant dense<0.000000e+00> : vector<1024xf32>
    %reduce_sum3A_3 = vector.multi_reduction <add>, %get3A_2, %reduce_sum3A [0] : vector<32x1024xf32> to vector<1024xf32>
    %add3A = arith.constant 1.000000e+00 : f32
    %add3A_4 = vector.broadcast %add3A : f32 to vector<1024xf32>
    %add3A_5 = arith.addf %reduce_sum3A_3, %add3A_4 : vector<1024xf32>
    %rsqrt3A = math.rsqrt %add3A_5 : vector<1024xf32>
    %get3A_6 = arith.constant 0 : index
    %get3A_7 = arith.constant 0 : index
    %get3A_8 = vector.load %arg2[%get3A_6, %get3A_7] : memref<1024x128xf32, #tpu.memory_space<vmem>>, vector<1024x128xf32>
    %get3A_9 = arith.constant 0 : index
    %get3A_10 = arith.constant 0 : index
    %get3A_11 = vector.load %arg3[%get3A_9, %get3A_10] : memref<128x64xf32, #tpu.memory_space<vmem>>, vector<128x64xf32>
    %dot_general3A = arith.constant dense<0.000000e+00> : vector<1024x64xf32>
    %dot_general3A_12 = tpu.matmul %get3A_8, %get3A_11, %dot_general3A {dimension_numbers = #tpu.dot_dimension_numbers<[1], [0], [0], [1], [0, 0, 1, 1], [], []>, transpose_lhs_hint = false} : vector<1024x128xf32>, vector<128x64xf32>, vector<1024x64xf32> -> vector<1024x64xf32>
    %broadcast_in_dim3A = vector.shape_cast %rsqrt3A : vector<1024xf32> to vector<1024x1xf32>
    %mul3A_13 = vector.broadcast %broadcast_in_dim3A : vector<1024x1xf32> to vector<1024x64xf32>
    %mul3A_14 = arith.mulf %dot_general3A_12, %mul3A_13 : vector<1024x64xf32>
    %swap3A = arith.constant 0 : index
    %swap3A_15 = arith.constant 0 : index
    %swap3A_16 = vector.load %arg4[%swap3A, %swap3A_15] : memref<1024x64xf32, #tpu.memory_space<vmem>>, vector<1024x64xf32>
    tpu.vector_store %arg4[%swap3A, %swap3A_15], %mul3A_14 {strides = array<i32>} : memref<1024x64xf32, #tpu.memory_space<vmem>>, vector<1024x64xf32>,
    return
  }
  func.func @transform_0(%arg0: i32) -> (i32, i32) {
    %c0_i32 = arith.constant 0 : i32
    %c0_i32_0 = arith.constant 0 : i32
    %c0_i32_1 = arith.constant 0 : i32
    return %c0_i32, %c0_i32_0 : i32, i32
  }
  func.func @transform_1(%arg0: i32) -> (i32, i32) {
    %c0_i32 = arith.constant 0 : i32
    %c0_i32_0 = arith.constant 0 : i32
    return %arg0, %c0_i32 : i32, i32
  }
  func.func @transform_2(%arg0: i32) -> (i32, i32) {
    %c0_i32 = arith.constant 0 : i32
    %c0_i32_0 = arith.constant 0 : i32
    %c0_i32_1 = arith.constant 0 : i32
    return %c0_i32, %c0_i32_0 : i32, i32
  }
  func.func @transform_3(%arg0: i32) -> (i32, i32) {
    %c0_i32 = arith.constant 0 : i32
    %c0_i32_0 = arith.constant 0 : i32
    return %arg0, %c0_i32 : i32, i32
  }
}

module attributes {stable_mosaic.version = 14 : i64} {
  func.func @_tc2_body(%arg0: i32, %arg1: memref<32x10240xf32, #tpu.memory_space<vmem>>, %arg2: memref<2x1024x64xf32, #tpu.memory_space<vmem>>, %arg3: memref<1024x64xf32, #tpu.memory_space<vmem>>, %arg4: memref<1x64xf32, #tpu.memory_space<vmem>>, %arg5: memref<64x64xf32, #tpu.memory_space<vmem>>, %arg6: memref<1024x64xf32, #tpu.memory_space<vmem>>) attributes {dimension_semantics = [#tpu.dimension_semantics<arbitrary>], iteration_bounds = array<i64: 10>, scalar_prefetch = 0 : i64, scratch_operands = 0 : i64, tpu.core_type = #tpu.core_type<tc>, window_params = [{pipeline_mode = #tpu.pipeline_mode<synchronous>, transform_indices = @transform_0, window_bounds = array<i64: 32, 10240>}, {transform_indices = @transform_1, window_bounds = array<i64: 2, 1024, 64>}, {transform_indices = @transform_2, window_bounds = array<i64: 1024, 64>}, {pipeline_mode = #tpu.pipeline_mode<synchronous>, transform_indices = @transform_3, window_bounds = array<i64: 1, 64>}, {pipeline_mode = #tpu.pipeline_mode<synchronous>, transform_indices = @transform_4, window_bounds = array<i64: 64, 64>}, {transform_indices = @transform_5, window_bounds = array<i64: 1024, 64>}]} {
    %mul3A = arith.constant 1024 : i32
    %mul3A_0 = arith.muli %arg0, %mul3A : i32
    %get3A = arith.constant 0 : index
    %get3A_1 = arith.index_cast %mul3A_0 : i32 to index
    %get3A_2 = vector.load %arg1[%get3A, %get3A_1] : memref<32x10240xf32, #tpu.memory_space<vmem>>, vector<32x1024xf32>
    %reduce_sum3A = arith.constant dense<0.000000e+00> : vector<1024xf32>
    %reduce_sum3A_3 = vector.multi_reduction <add>, %get3A_2, %reduce_sum3A [0] : vector<32x1024xf32> to vector<1024xf32>
    %add3A = arith.constant 1.000000e+00 : f32
    %add3A_4 = vector.broadcast %add3A : f32 to vector<1024xf32>
    %add3A_5 = arith.addf %reduce_sum3A_3, %add3A_4 : vector<1024xf32>
    %rsqrt3A = math.rsqrt %add3A_5 : vector<1024xf32>
    %get3A_6 = arith.constant 0 : index
    %get3A_7 = arith.constant 0 : index
    %get3A_8 = arith.constant 0 : index
    %get3A_9 = vector.load %arg2[%get3A_6, %get3A_7, %get3A_8] : memref<2x1024x64xf32, #tpu.memory_space<vmem>>, vector<1x1024x64xf32>
    %get3A_10 = vector.shape_cast %get3A_9 : vector<1x1024x64xf32> to vector<1024x64xf32>
    %get3A_11 = arith.constant 1 : index
    %get3A_12 = arith.constant 0 : index
    %get3A_13 = arith.constant 0 : index
    %get3A_14 = vector.load %arg2[%get3A_11, %get3A_12, %get3A_13] : memref<2x1024x64xf32, #tpu.memory_space<vmem>>, vector<1x1024x64xf32>
    %get3A_15 = vector.shape_cast %get3A_14 : vector<1x1024x64xf32> to vector<1024x64xf32>
    %add3A_16 = arith.addf %get3A_10, %get3A_15 : vector<1024x64xf32>
    %get3A_17 = arith.constant 0 : index
    %get3A_18 = arith.constant 0 : index
    %get3A_19 = vector.load %arg3[%get3A_17, %get3A_18] : memref<1024x64xf32, #tpu.memory_space<vmem>>, vector<1024x64xf32>
    %add3A_20 = arith.addf %add3A_16, %get3A_19 : vector<1024x64xf32>
    %broadcast_in_dim3A = vector.shape_cast %rsqrt3A : vector<1024xf32> to vector<1024x1xf32>
    %mul3A_21 = vector.broadcast %broadcast_in_dim3A : vector<1024x1xf32> to vector<1024x64xf32>
    %mul3A_22 = arith.mulf %add3A_20, %mul3A_21 : vector<1024x64xf32>
    %get3A_23 = arith.constant 0 : index
    %get3A_24 = arith.constant 0 : index
    %get3A_25 = vector.load %arg4[%get3A_23, %get3A_24] : memref<1x64xf32, #tpu.memory_space<vmem>>, vector<1x64xf32>
    %add3A_26 = vector.broadcast %get3A_25 : vector<1x64xf32> to vector<1024x64xf32>
    %add3A_27 = arith.addf %mul3A_22, %add3A_26 : vector<1024x64xf32>
    %max3A = arith.constant 0.000000e+00 : f32
    %max3A_28 = vector.broadcast %max3A : f32 to vector<1024x64xf32>
    %max3A_29 = arith.maximumf %add3A_27, %max3A_28 : vector<1024x64xf32>
    %get3A_30 = arith.constant 0 : index
    %get3A_31 = arith.constant 0 : index
    %get3A_32 = vector.load %arg5[%get3A_30, %get3A_31] : memref<64x64xf32, #tpu.memory_space<vmem>>, vector<64x64xf32>
    %dot_general3A = arith.constant dense<0.000000e+00> : vector<1024x64xf32>
    %dot_general3A_33 = tpu.matmul %max3A_29, %get3A_32, %dot_general3A {dimension_numbers = #tpu.dot_dimension_numbers<[1], [0], [0], [1], [0, 0, 1, 1], [], []>, transpose_lhs_hint = false} : vector<1024x64xf32>, vector<64x64xf32>, vector<1024x64xf32> -> vector<1024x64xf32>
    %broadcast_in_dim3A_34 = vector.shape_cast %rsqrt3A : vector<1024xf32> to vector<1024x1xf32>
    %mul3A_35 = vector.broadcast %broadcast_in_dim3A_34 : vector<1024x1xf32> to vector<1024x64xf32>
    %mul3A_36 = arith.mulf %dot_general3A_33, %mul3A_35 : vector<1024x64xf32>
    %swap3A = arith.constant 0 : index
    %swap3A_37 = arith.constant 0 : index
    %swap3A_38 = vector.load %arg6[%swap3A, %swap3A_37] : memref<1024x64xf32, #tpu.memory_space<vmem>>, vector<1024x64xf32>
    tpu.vector_store %arg6[%swap3A, %swap3A_37], %mul3A_36 {strides = array<i32>} : memref<1024x64xf32, #tpu.memory_space<vmem>>, vector<1024x64xf32>,
    return
  }
  func.func @transform_0(%arg0: i32) -> (i32, i32) {
    %c0_i32 = arith.constant 0 : i32
    %c0_i32_0 = arith.constant 0 : i32
    %c0_i32_1 = arith.constant 0 : i32
    return %c0_i32, %c0_i32_0 : i32, i32
  }
  func.func @transform_1(%arg0: i32) -> (i32, i32, i32) {
    %c0_i32 = arith.constant 0 : i32
    %c0_i32_0 = arith.constant 0 : i32
    %c0_i32_1 = arith.constant 0 : i32
    return %c0_i32, %arg0, %c0_i32_0 : i32, i32, i32
  }
  func.func @transform_2(%arg0: i32) -> (i32, i32) {
    %c0_i32 = arith.constant 0 : i32
    %c0_i32_0 = arith.constant 0 : i32
    return %arg0, %c0_i32 : i32, i32
  }
  func.func @transform_3(%arg0: i32) -> (i32, i32) {
    %c0_i32 = arith.constant 0 : i32
    %c0_i32_0 = arith.constant 0 : i32
    %c0_i32_1 = arith.constant 0 : i32
    return %c0_i32, %c0_i32_0 : i32, i32
  }
  func.func @transform_4(%arg0: i32) -> (i32, i32) {
    %c0_i32 = arith.constant 0 : i32
    %c0_i32_0 = arith.constant 0 : i32
    %c0_i32_1 = arith.constant 0 : i32
    return %c0_i32, %c0_i32_0 : i32, i32
  }
  func.func @transform_5(%arg0: i32) -> (i32, i32) {
    %c0_i32 = arith.constant 0 : i32
    %c0_i32_0 = arith.constant 0 : i32
    return %arg0, %c0_i32 : i32, i32
  }
}

module attributes {stable_mosaic.version = 14 : i64} {
  func.func @_tc3_body(%arg0: i32, %arg1: memref<32x10240xf32, #tpu.memory_space<vmem>>, %arg2: memref<2x1024x64xf32, #tpu.memory_space<vmem>>, %arg3: memref<1024x64xf32, #tpu.memory_space<vmem>>, %arg4: memref<1x64xf32, #tpu.memory_space<vmem>>, %arg5: memref<64x121xf32, #tpu.memory_space<vmem>>, %arg6: memref<1x121xf32, #tpu.memory_space<vmem>>, %arg7: memref<1024x121xf32, #tpu.memory_space<vmem>>) attributes {dimension_semantics = [#tpu.dimension_semantics<arbitrary>], iteration_bounds = array<i64: 10>, scalar_prefetch = 0 : i64, scratch_operands = 0 : i64, tpu.core_type = #tpu.core_type<tc>, window_params = [{pipeline_mode = #tpu.pipeline_mode<synchronous>, transform_indices = @transform_0, window_bounds = array<i64: 32, 10240>}, {transform_indices = @transform_1, window_bounds = array<i64: 2, 1024, 64>}, {transform_indices = @transform_2, window_bounds = array<i64: 1024, 64>}, {pipeline_mode = #tpu.pipeline_mode<synchronous>, transform_indices = @transform_3, window_bounds = array<i64: 1, 64>}, {pipeline_mode = #tpu.pipeline_mode<synchronous>, transform_indices = @transform_4, window_bounds = array<i64: 64, 121>}, {pipeline_mode = #tpu.pipeline_mode<synchronous>, transform_indices = @transform_5, window_bounds = array<i64: 1, 121>}, {transform_indices = @transform_6, window_bounds = array<i64: 1024, 121>}]} {
    %mul3A = arith.constant 1024 : i32
    %mul3A_0 = arith.muli %arg0, %mul3A : i32
    %get3A = arith.constant 0 : index
    %get3A_1 = arith.index_cast %mul3A_0 : i32 to index
    %get3A_2 = vector.load %arg1[%get3A, %get3A_1] : memref<32x10240xf32, #tpu.memory_space<vmem>>, vector<32x1024xf32>
    %reduce_sum3A = arith.constant dense<0.000000e+00> : vector<1024xf32>
    %reduce_sum3A_3 = vector.multi_reduction <add>, %get3A_2, %reduce_sum3A [0] : vector<32x1024xf32> to vector<1024xf32>
    %add3A = arith.constant 1.000000e+00 : f32
    %add3A_4 = vector.broadcast %add3A : f32 to vector<1024xf32>
    %add3A_5 = arith.addf %reduce_sum3A_3, %add3A_4 : vector<1024xf32>
    %rsqrt3A = math.rsqrt %add3A_5 : vector<1024xf32>
    %get3A_6 = arith.constant 0 : index
    %get3A_7 = arith.constant 0 : index
    %get3A_8 = arith.constant 0 : index
    %get3A_9 = vector.load %arg2[%get3A_6, %get3A_7, %get3A_8] : memref<2x1024x64xf32, #tpu.memory_space<vmem>>, vector<1x1024x64xf32>
    %get3A_10 = vector.shape_cast %get3A_9 : vector<1x1024x64xf32> to vector<1024x64xf32>
    %get3A_11 = arith.constant 1 : index
    %get3A_12 = arith.constant 0 : index
    %get3A_13 = arith.constant 0 : index
    %get3A_14 = vector.load %arg2[%get3A_11, %get3A_12, %get3A_13] : memref<2x1024x64xf32, #tpu.memory_space<vmem>>, vector<1x1024x64xf32>
    %get3A_15 = vector.shape_cast %get3A_14 : vector<1x1024x64xf32> to vector<1024x64xf32>
    %add3A_16 = arith.addf %get3A_10, %get3A_15 : vector<1024x64xf32>
    %get3A_17 = arith.constant 0 : index
    %get3A_18 = arith.constant 0 : index
    %get3A_19 = vector.load %arg3[%get3A_17, %get3A_18] : memref<1024x64xf32, #tpu.memory_space<vmem>>, vector<1024x64xf32>
    %add3A_20 = arith.addf %add3A_16, %get3A_19 : vector<1024x64xf32>
    %broadcast_in_dim3A = vector.shape_cast %rsqrt3A : vector<1024xf32> to vector<1024x1xf32>
    %mul3A_21 = vector.broadcast %broadcast_in_dim3A : vector<1024x1xf32> to vector<1024x64xf32>
    %mul3A_22 = arith.mulf %add3A_20, %mul3A_21 : vector<1024x64xf32>
    %get3A_23 = arith.constant 0 : index
    %get3A_24 = arith.constant 0 : index
    %get3A_25 = vector.load %arg4[%get3A_23, %get3A_24] : memref<1x64xf32, #tpu.memory_space<vmem>>, vector<1x64xf32>
    %add3A_26 = vector.broadcast %get3A_25 : vector<1x64xf32> to vector<1024x64xf32>
    %add3A_27 = arith.addf %mul3A_22, %add3A_26 : vector<1024x64xf32>
    %max3A = arith.constant 0.000000e+00 : f32
    %max3A_28 = vector.broadcast %max3A : f32 to vector<1024x64xf32>
    %max3A_29 = arith.maximumf %add3A_27, %max3A_28 : vector<1024x64xf32>
    %get3A_30 = arith.constant 0 : index
    %get3A_31 = arith.constant 0 : index
    %get3A_32 = vector.load %arg5[%get3A_30, %get3A_31] : memref<64x121xf32, #tpu.memory_space<vmem>>, vector<64x121xf32>
    %dot_general3A = arith.constant dense<0.000000e+00> : vector<1024x121xf32>
    %dot_general3A_33 = tpu.matmul %max3A_29, %get3A_32, %dot_general3A {dimension_numbers = #tpu.dot_dimension_numbers<[1], [0], [0], [1], [0, 0, 1, 1], [], []>, transpose_lhs_hint = false} : vector<1024x64xf32>, vector<64x121xf32>, vector<1024x121xf32> -> vector<1024x121xf32>
    %get3A_34 = arith.constant 0 : index
    %get3A_35 = arith.constant 0 : index
    %get3A_36 = vector.load %arg6[%get3A_34, %get3A_35] : memref<1x121xf32, #tpu.memory_space<vmem>>, vector<1x121xf32>
    %add3A_37 = vector.broadcast %get3A_36 : vector<1x121xf32> to vector<1024x121xf32>
    %add3A_38 = arith.addf %dot_general3A_33, %add3A_37 : vector<1024x121xf32>
    %swap3A = arith.constant 0 : index
    %swap3A_39 = arith.constant 0 : index
    %swap3A_40 = vector.load %arg7[%swap3A, %swap3A_39] : memref<1024x121xf32, #tpu.memory_space<vmem>>, vector<1024x121xf32>
    tpu.vector_store %arg7[%swap3A, %swap3A_39], %add3A_38 {strides = array<i32>} : memref<1024x121xf32, #tpu.memory_space<vmem>>, vector<1024x121xf32>,
    return
  }
  func.func @transform_0(%arg0: i32) -> (i32, i32) {
    %c0_i32 = arith.constant 0 : i32
    %c0_i32_0 = arith.constant 0 : i32
    %c0_i32_1 = arith.constant 0 : i32
    return %c0_i32, %c0_i32_0 : i32, i32
  }
  func.func @transform_1(%arg0: i32) -> (i32, i32, i32) {
    %c0_i32 = arith.constant 0 : i32
    %c0_i32_0 = arith.constant 0 : i32
    %c0_i32_1 = arith.constant 0 : i32
    return %c0_i32, %arg0, %c0_i32_0 : i32, i32, i32
  }
  func.func @transform_2(%arg0: i32) -> (i32, i32) {
    %c0_i32 = arith.constant 0 : i32
    %c0_i32_0 = arith.constant 0 : i32
    return %arg0, %c0_i32 : i32, i32
  }
  func.func @transform_3(%arg0: i32) -> (i32, i32) {
    %c0_i32 = arith.constant 0 : i32
    %c0_i32_0 = arith.constant 0 : i32
    %c0_i32_1 = arith.constant 0 : i32
    return %c0_i32, %c0_i32_0 : i32, i32
  }
  func.func @transform_4(%arg0: i32) -> (i32, i32) {
    %c0_i32 = arith.constant 0 : i32
    %c0_i32_0 = arith.constant 0 : i32
    %c0_i32_1 = arith.constant 0 : i32
    return %c0_i32, %c0_i32_0 : i32, i32
  }
  func.func @transform_5(%arg0: i32) -> (i32, i32) {
    %c0_i32 = arith.constant 0 : i32
    %c0_i32_0 = arith.constant 0 : i32
    %c0_i32_1 = arith.constant 0 : i32
    return %c0_i32, %c0_i32_0 : i32, i32
  }
  func.func @transform_6(%arg0: i32) -> (i32, i32) {
    %c0_i32 = arith.constant 0 : i32
    %c0_i32_0 = arith.constant 0 : i32
    return %arg0, %c0_i32 : i32, i32
  }
}

</mosaic_0001>

<sc_bundles>
// kernel: kernel.11.cloned.1.call-start
scs
__scs_entry_jumppad:
0x0: {  	(pc) =	sbr.rel $0x88, $3  }
0x1: {  	(tag) =	ssettag $0x0;
	lr =	simm.s32 $0x1  }
0x2: {  	[smem:$0x3F99] =	sst lr;
	_ =	strace $0xD0000000  }
0x3: {  	_ = 	snop  }
0x4: {  	_ = 	snop  }
0x5: {  	_ = 	snop  }
0x6: {  	_ = 	snop  }
0x7: {  	_ = 	snop  }
__scs_overlays_trampoline_lowered:
0x8: {  	[smem:$0x3FA8] =	sst s0  }
0x9: {  	[smem:$0x3FA9] =	sst s1  }
0xa: {  	[smem:$0x3FAA] =	sst s2  }
0xb: {  	[smem:$0x3FAB] =	sst s3  }
0xc: {  	[smem:$0x3FAC] =	sst s4  }
0xd: {  	[smem:$0x3FAD] =	sst s5  }
0xe: {  	[smem:$0x3FAE] =	sst s6  }
0xf: {  	[smem:$0x3FAF] =	sst s7  }
0x10: {  	[smem:$0x3FB0] =	sst s8  }
0x11: {  	[smem:$0x3FB1] =	sst s9;
	s0 =	simm.s32 @!p0 $0x0  }
0x12: {  	s1 =	sld [smem:$0x3F97];
	s0 =	simm.s32 @p0 $0x1  }
0x13: {  	[smem:$0x3FB2] =	sst s0;
	s0 =	simm.s32 @!p1 $0x0  }
0x14: {  	s2 =	sld [smem:$0x3F96];
	s0 =	simm.s32 @p1 $0x1  }
0x15: {  	[smem:$0x3FB3] =	sst s0;
	s0 =	simm.s32 @!p2 $0x0  }
0x16: {  	s3 =	sld [smem:$0x3FDB];
	s0 =	simm.s32 @p2 $0x1  }
0x17: {  	s4 =	simm.s32 $0x1BF5;
	[smem:$0x3FB5] =	sst s0  }
0x18: {  	s0 =	sld [smem:$0x3F98];
	_ =	swait.ge [sflag:s4], $0x0  }
0x19: {  	s7 =	sld [smem:$0x3F99]  }
0x1a: {  	s8 =	sadd.s32 $0xFFFFE003, lr  }
0x1b: {  	s9 =	sadd.s32 $0xFFFFFEF7, lr;
	s5 =	simm.s32 $0xFFFFFFFF;
	p2 =	slt.u32 s8, $0xFFFFF086  }
0x1c: {  	p1 =	slt.u32 s9, $0xF7A;
	s5 =	simm.s32 @!p2 $0x0  }
0x1d: {  	s5 =	simm.s32 @p1 $0x1;
	p0 =	seq.s32 s7, s2  }
0x1e: {  	s7 =	smul.u32 @!p0 $0xF7A, s2;
	p2 =	seq.s32 @!p0 s5, $0x0  }
0x1f: {  	s9 =	smul.u32 $0xF7A, s1;
	s8 =	simm.s32 @!p0 $0x1BF5;
	p2 =	por !p2, p0  }
0x20: {  	[sflag:s8] =	ssyncset.s32 @!p0 $0xFFFFF086;
	s6 =	sadd.s32 @!p0 s3, s7;
	s7 =	simm.s32 @!p0 $0x108  }
0x21: {  	s3 =	sadd.s32 s3, s9;
	s6 =	sadd.s32 @!p0 $0x88, s6;
	s7 =	simm.s32 @p2 $0x1082  }
0x22: {  	[simem:s7], [sflag:s8] =	dma.local @!p0 [hbm:s6], $0xF7A  }
0x23: {  	s9 =	sor.u32 $0xD0000000, s2;
	s6 =	simm.s32 $0x108;
	_ =	swait.ge @!p0 [sflag:s8], $0x0  }
0x24: {  	s3 =	sadd.s32 $0x88, s3;
	s6 =	simm.s32 @!p1 $0x1082;
	[sflag:s4] =	ssyncset.s32 $0xFFFFF086  }
0x25: {  	[simem:s6], [sflag:s4] =	dma.local [hbm:s3], $0xF7A  }
0x26: {  	[smem:$0x3F99] =	sst s1;
	(tag) =	ssettag s2;
	_ =	strace s9  }
0x27: {  	s1 =	sld [smem:$0x3FA9]  }
0x28: {  	s2 =	sld [smem:$0x3FAA]  }
0x29: {  	s4 =	sld [smem:$0x3FAC]  }
0x2a: {  	p0 =	seq.s32 s5, $0x0;
	s5 =	sld [smem:$0x3FAD]  }
0x2b: {  	s6 =	sld [smem:$0x3FAE]  }
0x2c: {  	s7 =	sld [smem:$0x3FAF]  }
0x2d: {  	s3 =	simm.s32 $0x108;
	s8 =	sld [smem:$0x3FB0]  }
0x2e: {  	s3 =	simm.s32 @!p0 $0x1082;
	s9 =	sld [smem:$0x3FB1]  }
0x2f: {  	lr =	sadd.s32 s0, s3;
	s0 =	sld [smem:$0x3FA8]  }
0x30: {  	s3 =	sld [smem:$0x3FAB]  }
0x31: {  	[smem:$0x3FB4] =	sst s10  }
0x32: {  	s10 =	sld [smem:$0x3FB2];
	_ =	sdelay $0x3  }
0x33: {  	p0 =	seq.s32 s10, $0x1;
	s10 =	sld [smem:$0x3FB4];
	_ =	sdelay $0x3  }
0x34: {  	[smem:$0x3FB4] =	sst s10  }
0x35: {  	s10 =	sld [smem:$0x3FB3];
	_ =	sdelay $0x3  }
0x36: {  	p1 =	seq.s32 s10, $0x1;
	s10 =	sld [smem:$0x3FB4];
	_ =	sdelay $0x3  }
0x37: {  	[smem:$0x3FB4] =	sst s10  }
0x38: {  	s10 =	sld [smem:$0x3FB5]  }
0x39: {  	_ = 	snop;
	(pc) =	sbr.ind lr, $3  }
0x3a: {  	_ = 	snop  }
0x3b: {  	_ = 	snop  }
0x3c: {  	p2 =	seq.s32 s10, $0x1;
	s10 =	sld [smem:$0x3FB4]  }
0x3d: {  	_ =	shalt  }
0x3e: {  	_ =	shalt  }
0x3f: {  	_ =	shalt  }
0x40: {  	_ =	shalt  }
0x41: {  	_ =	shalt  }
0x42: {  	_ =	shalt  }
0x43: {  	_ =	shalt  }
0x44: {  	_ =	shalt  }
0x45: {  	_ =	shalt  }
0x46: {  	_ =	shalt  }
0x47: {  	_ =	shalt  }
0x48: {  	_ =	shalt  }
0x49: {  	_ =	shalt  }
0x4a: {  	_ =	shalt  }
0x4b: {  	_ =	shalt  }
0x4c: {  	_ =	shalt  }
0x4d: {  	_ =	shalt  }
0x4e: {  	_ =	shalt  }
0x4f: {  	_ =	shalt  }
0x50: {  	_ =	shalt  }
0x51: {  	_ =	shalt  }
0x52: {  	_ =	shalt  }
0x53: {  	_ =	shalt  }
0x54: {  	_ =	shalt  }
0x55: {  	_ =	shalt  }
0x56: {  	_ =	shalt  }
0x57: {  	_ =	shalt  }
0x58: {  	_ =	shalt  }
0x59: {  	_ =	shalt  }
0x5a: {  	_ =	shalt  }
0x5b: {  	_ =	shalt  }
0x5c: {  	_ =	shalt  }
0x5d: {  	_ =	shalt  }
0x5e: {  	_ =	shalt  }
0x5f: {  	_ =	shalt  }
0x60: {  	_ =	shalt  }
0x61: {  	_ =	shalt  }
0x62: {  	_ =	shalt  }
0x63: {  	_ =	shalt  }
0x64: {  	_ =	shalt  }
0x65: {  	_ =	shalt  }
0x66: {  	_ =	shalt  }
0x67: {  	_ =	shalt  }
0x68: {  	_ =	shalt  }
0x69: {  	_ =	shalt  }
0x6a: {  	_ =	shalt  }
0x6b: {  	_ =	shalt  }
0x6c: {  	_ =	shalt  }
0x6d: {  	_ =	shalt  }
0x6e: {  	_ =	shalt  }
0x6f: {  	_ =	shalt  }
0x70: {  	_ =	shalt  }
0x71: {  	_ =	shalt  }
0x72: {  	_ =	shalt  }
0x73: {  	_ =	shalt  }
0x74: {  	_ =	shalt  }
0x75: {  	_ =	shalt  }
0x76: {  	_ =	shalt  }
0x77: {  	_ =	shalt  }
0x78: {  	_ =	shalt  }
0x79: {  	_ =	shalt  }
0x7a: {  	_ =	shalt  }
0x7b: {  	_ =	shalt  }
0x7c: {  	_ =	shalt  }
0x7d: {  	_ =	shalt  }
0x7e: {  	_ =	shalt  }
0x7f: {  	_ =	shalt  }
0x80: {  	_ =	shalt  }
0x81: {  	_ =	shalt  }
0x82: {  	_ =	shalt  }
0x83: {  	_ =	shalt  }
0x84: {  	_ =	shalt  }
0x85: {  	_ =	shalt  }
0x86: {  	_ =	shalt  }
0x87: {  	_ =	shalt  }
.Lfunc_end0:
.L_simem_size_0:
called_computation.1_lowered:
.L_overlay_start_0:
0x88: {  	s2 =	sld [smem:$0x3FD9]  }
0x89: {  	s3 =	sld [smem:$0x3FFE];
	_ =	sdelay $0x1  }
0x8a: {  	s1 =	srdreg.scid  }
0x8b: {  	s0 =	sand.u32 $0x1, s1  }
0x8c: {  	s17 =	sshll.u32 s0, $0xA;
	s2 =	sadd.s32 s3, s2  }
0x8d: {  	s2 =	sadd.s32 s2, s17  }
0x8e: {  	[smem:$0x3FC0] =	sst s2  }
0x8f: {  	_ = 	snop  }
0x90: {  	s2 =	sld [smem:$0x3FD0];
	(tm) =	ssettm $0x1  }
0x91: {  	s18 =	sld [smem:$0x3FFB];
	_ =	sdelay $0x3  }
0x92: {  	_ =	strace s18  }
0x93: {  	s3 =	sld [smem:$0x3FFC];
	_ =	sdelay $0x3  }
0x94: {  	_ =	strace s3  }
0x95: {  	s3 =	sld [smem:$0x3FFD];
	_ =	sdelay $0x3  }
0x96: {  	_ =	strace s3  }
0x97: {  	_ =	strace $0x8FFFFFFF  }
0x98: {  	s19 =	sld [smem:$0x3FDB];
	_ =	sdelay $0x1  }
0x99: {  	s4 =	simm.s32 $_scs_section_size  }
0x9a: {  	s5 =	simm.s32 $_size__tile_overlayer_lowered;
	s6 =	simm.s32 $_tile_overlayer_lowered  }
0x9b: {  	s22 =	simm.s32 $0x1BFF;
	s21 =	sshll.u32 s6, $0x1;
	s3 =	sadd.s32 s4, s19  }
0x9c: {  	s7 =	simm.s32 $0x0;
	s20 =	sshll.u32 s5, $0x1;
	s5 =	sadd.s32 s21, s3  }
0x9d: {  	[timem:s7], [sflag:s22] =	dma.local [hbm:s5], s20  }
0x9e: {  	_ =	swait.ge [sflag:s22], s20  }
0x9f: {  	s4 =	ssub.s32 $0x0, s20;
	[sflag:s22] =	ssyncset.done $0x0  }
0xa0: {  	[sflag:s22] =	ssyncadd.s32 s4;
	_ =	sdelay $0x1  }
0xa1: {  	s23 =	simm.s32 $0x1B8B  }
0xa2: {  	_ =	swait.ge [sflag:s23], $0x1  }
0xa3: {  	[sflag:s23] =	ssyncset.done $0x0  }
0xa4: {  	s25 =	simm.s32 $0x1B8E;
	s24 =	sld [smem:$0x3FFE];
	[sflag:s23] =	ssyncadd.s32 $0xFFFFFFFF  }
0xa5: {  	s26 =	simm.s32 $execute0_lowered;
	[smem:$0x3FD2] =	sst s25  }
0xa6: {  	s5 =	sshll.u32 s26, $0x1;
	_ =	strace $0x80000049;
	[dreg:$0x1] =	wrdreg $0xFFFFFFFF  }
0xa7: {  	s28 =	simm.s32 $_size_execute0_lowered;
	s3 =	sadd.s32 s3, s5;
	[dreg:$0x0] =	wrdreg $0x0  }
0xa8: {  	s5 =	sshll.u32 s28, $0x1;
	[dreg:$0x2] =	wrdreg s3  }
0xa9: {  	[dreg:$0x3] =	wrdreg s5  }
0xaa: {  	[dreg:$0x4] =	wrdreg $0xC0  }
0xab: {  	_ =	task [dreg:s7], $0x5FFFF  }
0xac: {  	[dreg:$0x1] =	wrdreg $0xFFFFFFFF  }
0xad: {  	[dreg:$0x0] =	wrdreg $0x60  }
0xae: {  	[dreg:$0x2] =	wrdreg s24  }
0xaf: {  	[dreg:$0x3] =	wrdreg s2  }
0xb0: {  	[dreg:$0x4] =	wrdreg $0x0  }
0xb1: {  	[dreg:$0x5] =	wrdreg $0x9  }
0xb2: {  	_ =	task.clear_ibuf [dreg:s7], $0x6FFFF;
	_ =	strace $0x90000049  }
0xb3: {  	s29 =	simm.s32 $0x9;
	_ =	strace $0x8000004B  }
0xb4: {  	_ =	swait.ge [sflag:s29], $0x1  }
0xb5: {  	[sflag:s29] =	ssyncadd.s32 $0xFFFFFFFF  }
0xb6: {  	_ =	strace $0x9000004B  }
0xb7: {  	_ =	sfence  }
0xb8: {  	s30 =	sld [smem:$0x0];
	_ =	sdelay $0x2  }
0xb9: {  	s31 =	sshll.u32 s1, $0xD;
	s1 =	sshrl.u32 s1, $0x2  }
0xba: {  	s3 =	sand.u32 $0x4000, s31;
	s1 =	sadd.s32 s1, s30  }
0xbb: {  	s0 =	sor.u32 s3, s0;
	s1 =	sshll.u32 s1, $0x11  }
0xbc: {  	s0 =	sor.u32 s1, s0  }
0xbd: {  	s0 =	sadd.s32 $0x8F2B, s0  }
0xbe: {  	[sflag:s0] =	ssyncadd.remote.s32 $0x1  }
0xbf: {  	_ =	sfence.sel $0xFFFF  }
0xc0: {  	[dreg:$0x0] =	wrdreg $0xFFFFFFFF;
	(pc) =	sbr.abs _section_cstart, $3  }
0xc1: {  	[dreg:$0x1] =	wrdreg $0xFFFFFFFF  }
0xc2: {  	_ =	task.clear_ibuf [dreg:s7], $0x2FFFF;
	_ =	strace $0x9FFFFFFF  }
0xc3: {  	(tm) =	ssettm $0x7FFFFFFF  }
tec
execute0_lowered:
.L_overlay_start_1:
0x0: {  	(tag) =	ssettag $0x1  }
0x1: {  	s6 =	rddreg [dreg:$0x0]  }
0x2: {  	s0 =	srdreg.scid;
	s2 =	rddreg [dreg:$0x1]  }
0x3: {  	s3 =	rddreg [dreg:$0x2];
	s4 =	simm.s32 $0x0;
	s14 =	simm.s32 $0xC800  }
0x4: {  	s15 =	simm.s32 $0x80;
	s16 =	simm.s32 $0xF000;
	s17 =	simm.s32 $0x11000  }
0x5: {  	s18 =	simm.s32 $0x1;
	s19 =	simm.s32 $0x2;
	s20 =	simm.s32 $0xC780  }
0x6: {  	s21 =	simm.s32 $0xEF00;
	s5 =	sand.u32 $0x1, s0;
	s0 =	stileid.u32  }
0x7: {  	s22 =	simm.s32 $0xEF80;
	s23 =	simm.s32 $0x0;
	s8 =	smul.u32 $0xA000, s0  }
0x8: {  	[smem:$0x7FF] =	sst s4;
	s1 =	sshll.u32 s5, $0x4;
	s9 =	smul.u32 $0xA0000, s5  }
0x9: {  	s5 =	ssub.s32 $0x2, s5;
	s31 =	sshll.u32 s0, $0x6;
	s1 =	sor.u32 s0, s1  }
0xa: {  	s11 =	sshrl.u32 s5, $0x1;
	s7 =	smul.u32 $0x500, s1;
	s1 =	rddreg [dreg:$0x3]  }
0xb: {  	_ =	strace $0x8000004A;
	s29 =	sadd.s32 s8, s9;
	s30 =	sshrl.u32 s8, $0x3  }
0xc: {  	s11 =	ssub.s32 s5, s11;
	s13 =	sadd.s32 s8, s3;
	s9 =	sadd.s32 s30, s6  }
0xd: {  	s10 =	sadd.s32 s7, s6;
	s7 =	sshrl.u32 s29, $0x3;
	s5 =	sadd.s32 $0x15800, s9  }
0xe: {  	s12 =	sadd.s32 s7, s6;
	s6 =	sor.u32 $0x1C03, s31;
	s7 =	sadd.s32 $0xB800, s10  }
0xf: {  	s8 =	sadd.s32 $0x1800, s10;
	s10 =	smax.u32 s11, $0x1;
	s11 =	sshrl.u32 s13, $0x3  }
0x10: {  	s13 =	simm.s32 $0xA000;
	s9 =	sadd.s32 $0x29800, s12;
	s12 =	simm.s32 $0x3  }
.LBB2_1:
0x11: {  	[spmem:s11], [sflag:s6] =	dma.local [hbm:s5], $0x1400  }
0x12: {  	_ =	swait.ge [sflag:s12], $0x1400  }
0x13: {  	[sflag:s12] =	ssyncset.done $0x0  }
0x14: {  	[sflag:s12] =	ssyncadd.s32 $0xFFFFEC00  }
0x15: {  	[tilespmem:s13], [sflag:$0x3] =	stream.linear.gather [hbm4b:s7+s4], $0x2800, $0x38;
	[tilespmem:$0x13000] =	vst v63  }
0x16: {  	_ =	swait.ge [sflag:s12], $0x2800  }
0x17: {  	[sflag:s12] =	ssyncset.done $0x0  }
0x18: {  	[sflag:s12] =	ssyncadd.s32 $0xFFFFD800  }
0x19: {  	[tilespmem:s14], [sflag:$0x3] =	stream.linear.gather [hbm4b:s8+s4], $0x2800, $0x38;
	[tilespmem:$0x13000] =	vst v63  }
0x1a: {  	_ =	swait.ge [sflag:s12], $0x2800  }
0x1b: {  	[sflag:s12] =	ssyncset.done $0x0  }
0x1c: {  	[sflag:s12] =	ssyncadd.s32 $0xFFFFD800  }
0x1d: {  	[bflag:$0x0] =	sbarrier.arrive $0xFFFF  }
0x1e: {  	[tilespmem:s16], [sflag:$0x1] =	stream.indirect.gather [hbm4b:s2+s15], $0x40, s13, s15, $0xb8;
	[tilespmem:$0x13000] =	vst v63  }
0x1f: {  	s24 =	simm.s32 $0xA080  }
0x20: {  	[tilespmem:s17], [sflag:$0x2] =	stream.indirect.gather [hbm4b:s2+s15], $0x40, s24, s15, $0xb8;
	[tilespmem:$0x13000] =	vst v63  }
0x21: {  	_ =	swait.ge [sflag:s18], $0x2000  }
0x22: {  	[sflag:s18] =	ssyncset.done $0x0  }
0x23: {  	s29 =	simm.s32 $0xC800;
	[sflag:s18] =	ssyncadd.s32 $0xFFFFE000  }
0x24: {  	[spmem:s3] =	stream.indirect.scatter.add.f32 [tilespmem:s16], [sflag:$0x3], $0x40, s29, s15, $0xb8;
	[tilespmem:$0x13000] =	vst v63  }
0x25: {  	_ =	swait.ge [sflag:s12], $0x2000  }
0x26: {  	[sflag:s12] =	ssyncset.done $0x0  }
0x27: {  	s30 =	simm.s32 $0xA100;
	[sflag:s12] =	ssyncadd.s32 $0xFFFFE000  }
0x28: {  	[tilespmem:s16], [sflag:$0x1] =	stream.indirect.gather [hbm4b:s2+s15], $0x40, s30, s15, $0xb8;
	[tilespmem:$0x13000] =	vst v63  }
0x29: {  	_ =	swait.ge [sflag:s19], $0x2000  }
0x2a: {  	[sflag:s19] =	ssyncset.done $0x0  }
0x2b: {  	s31 =	simm.s32 $0xC880;
	[sflag:s19] =	ssyncadd.s32 $0xFFFFE000  }
0x2c: {  	[spmem:s3] =	stream.indirect.scatter.add.f32 [tilespmem:s17], [sflag:$0x3], $0x40, s31, s15, $0xb8;
	[tilespmem:$0x13000] =	vst v63  }
0x2d: {  	_ =	swait.ge [sflag:s12], $0x2000  }
0x2e: {  	s25 =	simm.s32 $0x800;
	s24 =	simm.s32 $0x100;
	[sflag:s12] =	ssyncset.done $0x0  }
.LBB2_2:
0x2f: {  	s26 =	sadd.s32 $0xA080, s24  }
0x30: {  	[sflag:s12] =	ssyncadd.s32 $0xFFFFE000;
	s28 =	smov.u32 s25;
	s29 =	sadd.s32 $0x400, s25  }
0x31: {  	[tilespmem:s17], [sflag:$0x2] =	stream.indirect.gather [hbm4b:s2+s15], $0x40, s26, s15, $0xb8;
	[tilespmem:$0x13000] =	vst v63  }
0x32: {  	p0 =	sne.s32 s25, $0x9800;
	_ =	swait.ge [sflag:s18], $0x2000  }
0x33: {  	[sflag:s18] =	ssyncset.done $0x0  }
0x34: {  	s25 =	sadd.s32 $0xC800, s24;
	[sflag:s18] =	ssyncadd.s32 $0xFFFFE000  }
0x35: {  	[spmem:s3] =	stream.indirect.scatter.add.f32 [tilespmem:s16], [sflag:$0x3], $0x40, s25, s15, $0xb8;
	[tilespmem:$0x13000] =	vst v63  }
0x36: {  	_ =	swait.ge [sflag:s12], $0x2000  }
0x37: {  	[sflag:s12] =	ssyncset.done $0x0  }
0x38: {  	s25 =	sadd.s32 $0xA100, s24;
	[sflag:s12] =	ssyncadd.s32 $0xFFFFE000  }
0x39: {  	[tilespmem:s16], [sflag:$0x1] =	stream.indirect.gather [hbm4b:s2+s15], $0x40, s25, s15, $0xb8;
	[tilespmem:$0x13000] =	vst v63  }
0x3a: {  	_ =	swait.ge [sflag:s19], $0x2000  }
.Ltmp0:
0x3b: {  	[sflag:s19] =	ssyncset.done $0x0;
	(pc) =	sbr.rel @p0 .LBB2_2-.Ltmp0, $4  }
0x3c: {  	s24 =	sadd.s32 $0xC880, s24;
	[sflag:s19] =	ssyncadd.s32 $0xFFFFE000  }
0x3d: {  	[spmem:s3] =	stream.indirect.scatter.add.f32 [tilespmem:s17], [sflag:$0x3], $0x40, s24, s15, $0xb8;
	[tilespmem:$0x13000] =	vst v63  }
0x3e: {  	_ =	swait.ge [sflag:s12], $0x2000  }
0x3f: {  	s25 =	smov.u32 s29;
	s24 =	sshra.s32 s28, $0x2;
	[sflag:s12] =	ssyncset.done $0x0  }
0x40: {  	s25 =	sadd.s32 $0xA080, s24;
	[sflag:s12] =	ssyncadd.s32 $0xFFFFE000  }
0x41: {  	[tilespmem:s17], [sflag:$0x2] =	stream.indirect.gather [hbm4b:s2+s15], $0x40, s25, s15, $0xb8;
	[tilespmem:$0x13000] =	vst v63  }
0x42: {  	_ =	swait.ge [sflag:s18], $0x2000  }
0x43: {  	[sflag:s18] =	ssyncset.done $0x0  }
0x44: {  	s29 =	sadd.s32 $0xC800, s24;
	[sflag:s18] =	ssyncadd.s32 $0xFFFFE000  }
0x45: {  	[spmem:s3] =	stream.indirect.scatter.add.f32 [tilespmem:s16], [sflag:$0x3], $0x40, s29, s15, $0xb8;
	[tilespmem:$0x13000] =	vst v63  }
0x46: {  	_ =	swait.ge [sflag:s12], $0x2000  }
0x47: {  	[sflag:s12] =	ssyncset.done $0x0  }
0x48: {  	s30 =	sadd.s32 $0xA100, s24;
	[sflag:s12] =	ssyncadd.s32 $0xFFFFE000  }
0x49: {  	[tilespmem:s16], [sflag:$0x1] =	stream.indirect.gather [hbm4b:s2+s15], $0x40, s30, s15, $0xb8;
	[tilespmem:$0x13000] =	vst v63  }
0x4a: {  	_ =	swait.ge [sflag:s19], $0x2000  }
0x4b: {  	[sflag:s19] =	ssyncset.done $0x0  }
0x4c: {  	s31 =	sadd.s32 $0xC880, s24;
	[sflag:s19] =	ssyncadd.s32 $0xFFFFE000  }
0x4d: {  	[spmem:s3] =	stream.indirect.scatter.add.f32 [tilespmem:s17], [sflag:$0x3], $0x40, s31, s15, $0xb8;
	[tilespmem:$0x13000] =	vst v63  }
0x4e: {  	_ =	swait.ge [sflag:s12], $0x2000  }
0x4f: {  	[sflag:s12] =	ssyncset.done $0x0  }
0x50: {  	[sflag:s12] =	ssyncadd.s32 $0xFFFFE000  }
0x51: {  	[tilespmem:s17], [sflag:$0x2] =	stream.indirect.gather [hbm4b:s2+s15], $0x40, s20, s15, $0xb8;
	[tilespmem:$0x13000] =	vst v63  }
0x52: {  	_ =	swait.ge [sflag:s18], $0x2000  }
0x53: {  	[sflag:s18] =	ssyncset.done $0x0  }
0x54: {  	[sflag:s18] =	ssyncadd.s32 $0xFFFFE000  }
0x55: {  	[spmem:s3] =	stream.indirect.scatter.add.f32 [tilespmem:s16], [sflag:$0x3], $0x40, s21, s15, $0xb8;
	[tilespmem:$0x13000] =	vst v63  }
0x56: {  	_ =	swait.ge [sflag:s12], $0x2000  }
0x57: {  	[sflag:s12] =	ssyncset.done $0x0  }
0x58: {  	[sflag:s12] =	ssyncadd.s32 $0xFFFFE000  }
0x59: {  	_ =	swait.ge [sflag:s19], $0x2000  }
0x5a: {  	[sflag:s19] =	ssyncset.done $0x0  }
0x5b: {  	[sflag:s19] =	ssyncadd.s32 $0xFFFFE000  }
0x5c: {  	[spmem:s3] =	stream.indirect.scatter.add.f32 [tilespmem:s17], [sflag:$0x3], $0x40, s22, s15, $0xb8;
	[tilespmem:$0x13000] =	vst v63  }
0x5d: {  	_ =	swait.ge [sflag:s12], $0x2000  }
0x5e: {  	s23 =	sadd.s32 $0x1, s23;
	[sflag:s12] =	ssyncset.done $0x0  }
0x5f: {  	p0 =	sne.s32 s23, s10;
	[sflag:s12] =	ssyncadd.s32 $0xFFFFE000  }
.Ltmp1:
0x60: {  	[bflag:$0x0] =	sbarrier.arrive $0xFFFF;
	(pc) =	sbr.rel @p0 .LBB2_1-.Ltmp1, $4  }
0x61: {  	[hbm:s9], [sflag:s6] =	dma.local [spmem:s11], $0x1400  }
0x62: {  	_ =	swait.ge [sflag:s12], $0x1400  }
0x63: {  	[sflag:s12] =	ssyncset.done $0x0  }
0x64: {  	[sflag:s12] =	ssyncadd.s32 $0xFFFFEC00  }
0x65: {  	_ =	sfence.sel $0x180000  }
0x66: {  	[bflag:$0x0] =	sbarrier.arrive $0xFFFF  }
0x67: {  	p0 =	sne.s32 s0, $0x0;
	_ =	strace $0x9000004A  }
0x68: {  	s0 =	sadd.s32 @!p0 $0x100000, s1;
	[bflag:$0x2] =	sbarrier.arrive $0xFFFF  }
0x69: {  	[sflag:s0] =	ssyncadd.tile.s32 @!p0 $0x1;
	_ =	shalt  }
.Lfunc_end2:
_tile_overlayer_lowered:
.L_overlay_start_2:
0x6a: {  	(tag) =	ssettag $0x2  }
0x6b: {  	s0 =	rddreg [dreg:$0x0];
	s2 =	stileid.u32  }
0x6c: {  	s1 =	rddreg [dreg:$0x1];
	p0 =	sne.s32 s2, $0x0  }
0x6d: {  	s3 =	rddreg [dreg:$0x2];
	[bflag:$0x3] =	sbarrier.arrive $0xFFFF;
	s2 =	simm.s32 @!p0 $0x1C03  }
0x6e: {  	[timem:s3], [sflag:s2] =	dma.local @!p0 [hbm:s0], s1  }
0x6f: {  	s0 =	simm.s32 @!p0 $0x3  }
0x70: {  	_ =	swait.ge @!p0 [sflag:s0], s1  }
0x71: {  	s1 =	ssub.s32 @!p0 $0x0, s1;
	[sflag:s0] =	ssyncset.done @!p0 $0x0  }
0x72: {  	[sflag:s0] =	ssyncadd.s32 @!p0 s1  }
0x73: {  	[bflag:$0x3] =	sbarrier.arrive $0xFFFF  }
0x74: {  	_ =	shalt  }

// kernel: kernel.14.cloned.1.call-start
scs
__scs_entry_jumppad:
0x0: {  	(pc) =	sbr.rel $0x88, $3  }
0x1: {  	(tag) =	ssettag $0x0;
	lr =	simm.s32 $0x1  }
0x2: {  	[smem:$0x3F99] =	sst lr;
	_ =	strace $0xD0000000  }
0x3: {  	_ = 	snop  }
0x4: {  	_ = 	snop  }
0x5: {  	_ = 	snop  }
0x6: {  	_ = 	snop  }
0x7: {  	_ = 	snop  }
__scs_overlays_trampoline_lowered:
0x8: {  	[smem:$0x3FA8] =	sst s0  }
0x9: {  	[smem:$0x3FA9] =	sst s1  }
0xa: {  	[smem:$0x3FAA] =	sst s2  }
0xb: {  	[smem:$0x3FAB] =	sst s3  }
0xc: {  	[smem:$0x3FAC] =	sst s4  }
0xd: {  	[smem:$0x3FAD] =	sst s5  }
0xe: {  	[smem:$0x3FAE] =	sst s6  }
0xf: {  	[smem:$0x3FAF] =	sst s7  }
0x10: {  	[smem:$0x3FB0] =	sst s8  }
0x11: {  	[smem:$0x3FB1] =	sst s9;
	s0 =	simm.s32 @!p0 $0x0  }
0x12: {  	s1 =	sld [smem:$0x3F97];
	s0 =	simm.s32 @p0 $0x1  }
0x13: {  	[smem:$0x3FB2] =	sst s0;
	s0 =	simm.s32 @!p1 $0x0  }
0x14: {  	s2 =	sld [smem:$0x3F96];
	s0 =	simm.s32 @p1 $0x1  }
0x15: {  	[smem:$0x3FB3] =	sst s0;
	s0 =	simm.s32 @!p2 $0x0  }
0x16: {  	s3 =	sld [smem:$0x3FDB];
	s0 =	simm.s32 @p2 $0x1  }
0x17: {  	s4 =	simm.s32 $0x1BF5;
	[smem:$0x3FB5] =	sst s0  }
0x18: {  	s0 =	sld [smem:$0x3F98];
	_ =	swait.ge [sflag:s4], $0x0  }
0x19: {  	s7 =	sld [smem:$0x3F99]  }
0x1a: {  	s8 =	sadd.s32 $0xFFFFE003, lr  }
0x1b: {  	s9 =	sadd.s32 $0xFFFFFEF7, lr;
	s5 =	simm.s32 $0xFFFFFFFF;
	p2 =	slt.u32 s8, $0xFFFFF086  }
0x1c: {  	p1 =	slt.u32 s9, $0xF7A;
	s5 =	simm.s32 @!p2 $0x0  }
0x1d: {  	s5 =	simm.s32 @p1 $0x1;
	p0 =	seq.s32 s7, s2  }
0x1e: {  	s7 =	smul.u32 @!p0 $0xF7A, s2;
	p2 =	seq.s32 @!p0 s5, $0x0  }
0x1f: {  	s9 =	smul.u32 $0xF7A, s1;
	s8 =	simm.s32 @!p0 $0x1BF5;
	p2 =	por !p2, p0  }
0x20: {  	[sflag:s8] =	ssyncset.s32 @!p0 $0xFFFFF086;
	s6 =	sadd.s32 @!p0 s3, s7;
	s7 =	simm.s32 @!p0 $0x108  }
0x21: {  	s3 =	sadd.s32 s3, s9;
	s6 =	sadd.s32 @!p0 $0x88, s6;
	s7 =	simm.s32 @p2 $0x1082  }
0x22: {  	[simem:s7], [sflag:s8] =	dma.local @!p0 [hbm:s6], $0xF7A  }
0x23: {  	s9 =	sor.u32 $0xD0000000, s2;
	s6 =	simm.s32 $0x108;
	_ =	swait.ge @!p0 [sflag:s8], $0x0  }
0x24: {  	s3 =	sadd.s32 $0x88, s3;
	s6 =	simm.s32 @!p1 $0x1082;
	[sflag:s4] =	ssyncset.s32 $0xFFFFF086  }
0x25: {  	[simem:s6], [sflag:s4] =	dma.local [hbm:s3], $0xF7A  }
0x26: {  	[smem:$0x3F99] =	sst s1;
	(tag) =	ssettag s2;
	_ =	strace s9  }
0x27: {  	s1 =	sld [smem:$0x3FA9]  }
0x28: {  	s2 =	sld [smem:$0x3FAA]  }
0x29: {  	s4 =	sld [smem:$0x3FAC]  }
0x2a: {  	p0 =	seq.s32 s5, $0x0;
	s5 =	sld [smem:$0x3FAD]  }
0x2b: {  	s6 =	sld [smem:$0x3FAE]  }
0x2c: {  	s7 =	sld [smem:$0x3FAF]  }
0x2d: {  	s3 =	simm.s32 $0x108;
	s8 =	sld [smem:$0x3FB0]  }
0x2e: {  	s3 =	simm.s32 @!p0 $0x1082;
	s9 =	sld [smem:$0x3FB1]  }
0x2f: {  	lr =	sadd.s32 s0, s3;
	s0 =	sld [smem:$0x3FA8]  }
0x30: {  	s3 =	sld [smem:$0x3FAB]  }
0x31: {  	[smem:$0x3FB4] =	sst s10  }
0x32: {  	s10 =	sld [smem:$0x3FB2];
	_ =	sdelay $0x3  }
0x33: {  	p0 =	seq.s32 s10, $0x1;
	s10 =	sld [smem:$0x3FB4];
	_ =	sdelay $0x3  }
0x34: {  	[smem:$0x3FB4] =	sst s10  }
0x35: {  	s10 =	sld [smem:$0x3FB3];
	_ =	sdelay $0x3  }
0x36: {  	p1 =	seq.s32 s10, $0x1;
	s10 =	sld [smem:$0x3FB4];
	_ =	sdelay $0x3  }
0x37: {  	[smem:$0x3FB4] =	sst s10  }
0x38: {  	s10 =	sld [smem:$0x3FB5]  }
0x39: {  	_ = 	snop;
	(pc) =	sbr.ind lr, $3  }
0x3a: {  	_ = 	snop  }
0x3b: {  	_ = 	snop  }
0x3c: {  	p2 =	seq.s32 s10, $0x1;
	s10 =	sld [smem:$0x3FB4]  }
0x3d: {  	_ =	shalt  }
0x3e: {  	_ =	shalt  }
0x3f: {  	_ =	shalt  }
0x40: {  	_ =	shalt  }
0x41: {  	_ =	shalt  }
0x42: {  	_ =	shalt  }
0x43: {  	_ =	shalt  }
0x44: {  	_ =	shalt  }
0x45: {  	_ =	shalt  }
0x46: {  	_ =	shalt  }
0x47: {  	_ =	shalt  }
0x48: {  	_ =	shalt  }
0x49: {  	_ =	shalt  }
0x4a: {  	_ =	shalt  }
0x4b: {  	_ =	shalt  }
0x4c: {  	_ =	shalt  }
0x4d: {  	_ =	shalt  }
0x4e: {  	_ =	shalt  }
0x4f: {  	_ =	shalt  }
0x50: {  	_ =	shalt  }
0x51: {  	_ =	shalt  }
0x52: {  	_ =	shalt  }
0x53: {  	_ =	shalt  }
0x54: {  	_ =	shalt  }
0x55: {  	_ =	shalt  }
0x56: {  	_ =	shalt  }
0x57: {  	_ =	shalt  }
0x58: {  	_ =	shalt  }
0x59: {  	_ =	shalt  }
0x5a: {  	_ =	shalt  }
0x5b: {  	_ =	shalt  }
0x5c: {  	_ =	shalt  }
0x5d: {  	_ =	shalt  }
0x5e: {  	_ =	shalt  }
0x5f: {  	_ =	shalt  }
0x60: {  	_ =	shalt  }
0x61: {  	_ =	shalt  }
0x62: {  	_ =	shalt  }
0x63: {  	_ =	shalt  }
0x64: {  	_ =	shalt  }
0x65: {  	_ =	shalt  }
0x66: {  	_ =	shalt  }
0x67: {  	_ =	shalt  }
0x68: {  	_ =	shalt  }
0x69: {  	_ =	shalt  }
0x6a: {  	_ =	shalt  }
0x6b: {  	_ =	shalt  }
0x6c: {  	_ =	shalt  }
0x6d: {  	_ =	shalt  }
0x6e: {  	_ =	shalt  }
0x6f: {  	_ =	shalt  }
0x70: {  	_ =	shalt  }
0x71: {  	_ =	shalt  }
0x72: {  	_ =	shalt  }
0x73: {  	_ =	shalt  }
0x74: {  	_ =	shalt  }
0x75: {  	_ =	shalt  }
0x76: {  	_ =	shalt  }
0x77: {  	_ =	shalt  }
0x78: {  	_ =	shalt  }
0x79: {  	_ =	shalt  }
0x7a: {  	_ =	shalt  }
0x7b: {  	_ =	shalt  }
0x7c: {  	_ =	shalt  }
0x7d: {  	_ =	shalt  }
0x7e: {  	_ =	shalt  }
0x7f: {  	_ =	shalt  }
0x80: {  	_ =	shalt  }
0x81: {  	_ =	shalt  }
0x82: {  	_ =	shalt  }
0x83: {  	_ =	shalt  }
0x84: {  	_ =	shalt  }
0x85: {  	_ =	shalt  }
0x86: {  	_ =	shalt  }
0x87: {  	_ =	shalt  }
.Lfunc_end0:
.L_simem_size_0:
called_computation.2_lowered:
.L_overlay_start_0:
0x88: {  	s2 =	sld [smem:$0x3FD9]  }
0x89: {  	s3 =	sld [smem:$0x3FFE];
	_ =	sdelay $0x1  }
0x8a: {  	s1 =	srdreg.scid  }
0x8b: {  	s0 =	sand.u32 $0x1, s1  }
0x8c: {  	s17 =	sshll.u32 s0, $0xA;
	s2 =	sadd.s32 s3, s2  }
0x8d: {  	s2 =	sadd.s32 s2, s17  }
0x8e: {  	[smem:$0x3FC0] =	sst s2  }
0x8f: {  	_ = 	snop  }
0x90: {  	s2 =	sld [smem:$0x3FD0];
	(tm) =	ssettm $0x1  }
0x91: {  	s18 =	sld [smem:$0x3FFB];
	_ =	sdelay $0x3  }
0x92: {  	_ =	strace s18  }
0x93: {  	s3 =	sld [smem:$0x3FFC];
	_ =	sdelay $0x3  }
0x94: {  	_ =	strace s3  }
0x95: {  	s3 =	sld [smem:$0x3FFD];
	_ =	sdelay $0x3  }
0x96: {  	_ =	strace s3  }
0x97: {  	_ =	strace $0x8FFFFFFF  }
0x98: {  	s19 =	sld [smem:$0x3FDB];
	_ =	sdelay $0x1  }
0x99: {  	s4 =	simm.s32 $_scs_section_size  }
0x9a: {  	s5 =	simm.s32 $_size__tile_overlayer_lowered;
	s6 =	simm.s32 $_tile_overlayer_lowered  }
0x9b: {  	s22 =	simm.s32 $0x1BFF;
	s21 =	sshll.u32 s6, $0x1;
	s3 =	sadd.s32 s4, s19  }
0x9c: {  	s7 =	simm.s32 $0x0;
	s20 =	sshll.u32 s5, $0x1;
	s5 =	sadd.s32 s21, s3  }
0x9d: {  	[timem:s7], [sflag:s22] =	dma.local [hbm:s5], s20  }
0x9e: {  	_ =	swait.ge [sflag:s22], s20  }
0x9f: {  	s4 =	ssub.s32 $0x0, s20;
	[sflag:s22] =	ssyncset.done $0x0  }
0xa0: {  	[sflag:s22] =	ssyncadd.s32 s4;
	_ =	sdelay $0x1  }
0xa1: {  	s23 =	simm.s32 $0x1B8B  }
0xa2: {  	_ =	swait.ge [sflag:s23], $0x1  }
0xa3: {  	[sflag:s23] =	ssyncset.done $0x0  }
0xa4: {  	s25 =	simm.s32 $0x1B8E;
	s24 =	sld [smem:$0x3FFE];
	[sflag:s23] =	ssyncadd.s32 $0xFFFFFFFF  }
0xa5: {  	s26 =	simm.s32 $execute0_lowered;
	[smem:$0x3FD2] =	sst s25  }
0xa6: {  	s5 =	sshll.u32 s26, $0x1;
	_ =	strace $0x8000004C;
	[dreg:$0x1] =	wrdreg $0xFFFFFFFF  }
0xa7: {  	s28 =	simm.s32 $_size_execute0_lowered;
	s3 =	sadd.s32 s3, s5;
	[dreg:$0x0] =	wrdreg $0x0  }
0xa8: {  	s5 =	sshll.u32 s28, $0x1;
	[dreg:$0x2] =	wrdreg s3  }
0xa9: {  	[dreg:$0x3] =	wrdreg s5  }
0xaa: {  	[dreg:$0x4] =	wrdreg $0xC0  }
0xab: {  	_ =	task [dreg:s7], $0x5FFFF  }
0xac: {  	[dreg:$0x1] =	wrdreg $0xFFFFFFFF  }
0xad: {  	[dreg:$0x0] =	wrdreg $0x60  }
0xae: {  	[dreg:$0x2] =	wrdreg s24  }
0xaf: {  	[dreg:$0x3] =	wrdreg s2  }
0xb0: {  	[dreg:$0x4] =	wrdreg $0x0  }
0xb1: {  	[dreg:$0x5] =	wrdreg $0x9  }
0xb2: {  	_ =	task.clear_ibuf [dreg:s7], $0x6FFFF;
	_ =	strace $0x9000004C  }
0xb3: {  	s29 =	simm.s32 $0x9;
	_ =	strace $0x8000004E  }
0xb4: {  	_ =	swait.ge [sflag:s29], $0x1  }
0xb5: {  	[sflag:s29] =	ssyncadd.s32 $0xFFFFFFFF  }
0xb6: {  	_ =	strace $0x9000004E  }
0xb7: {  	_ =	sfence  }
0xb8: {  	s30 =	sld [smem:$0x0];
	_ =	sdelay $0x2  }
0xb9: {  	s31 =	sshll.u32 s1, $0xD;
	s1 =	sshrl.u32 s1, $0x2  }
0xba: {  	s3 =	sand.u32 $0x4000, s31;
	s1 =	sadd.s32 s1, s30  }
0xbb: {  	s0 =	sor.u32 s3, s0;
	s1 =	sshll.u32 s1, $0x11  }
0xbc: {  	s0 =	sor.u32 s1, s0  }
0xbd: {  	s0 =	sadd.s32 $0x8F2B, s0  }
0xbe: {  	[sflag:s0] =	ssyncadd.remote.s32 $0x1  }
0xbf: {  	_ =	sfence.sel $0xFFFF  }
0xc0: {  	[dreg:$0x0] =	wrdreg $0xFFFFFFFF;
	(pc) =	sbr.abs _section_cstart, $3  }
0xc1: {  	[dreg:$0x1] =	wrdreg $0xFFFFFFFF  }
0xc2: {  	_ =	task.clear_ibuf [dreg:s7], $0x2FFFF;
	_ =	strace $0x9FFFFFFF  }
0xc3: {  	(tm) =	ssettm $0x7FFFFFFF  }
tec
execute0_lowered:
.L_overlay_start_1:
0x0: {  	(tag) =	ssettag $0x1  }
0x1: {  	s6 =	rddreg [dreg:$0x0]  }
0x2: {  	s0 =	srdreg.scid;
	s2 =	rddreg [dreg:$0x1]  }
0x3: {  	s3 =	rddreg [dreg:$0x2];
	s4 =	simm.s32 $0x0;
	s14 =	simm.s32 $0xC800  }
0x4: {  	s15 =	simm.s32 $0x80;
	s16 =	simm.s32 $0xF000;
	s17 =	simm.s32 $0x11000  }
0x5: {  	s18 =	simm.s32 $0x1;
	s19 =	simm.s32 $0x2;
	s20 =	simm.s32 $0xC780  }
0x6: {  	s21 =	simm.s32 $0xEF00;
	s5 =	sand.u32 $0x1, s0;
	s0 =	stileid.u32  }
0x7: {  	s22 =	simm.s32 $0xEF80;
	s23 =	simm.s32 $0x0;
	s8 =	smul.u32 $0xA000, s0  }
0x8: {  	[smem:$0x7FF] =	sst s4;
	s1 =	sshll.u32 s5, $0x4;
	s9 =	smul.u32 $0xA0000, s5  }
0x9: {  	s5 =	ssub.s32 $0x2, s5;
	s31 =	sshll.u32 s0, $0x6;
	s1 =	sor.u32 s0, s1  }
0xa: {  	s11 =	sshrl.u32 s5, $0x1;
	s7 =	smul.u32 $0x500, s1;
	s1 =	rddreg [dreg:$0x3]  }
0xb: {  	_ =	strace $0x8000004D;
	s29 =	sadd.s32 s8, s9;
	s30 =	sshrl.u32 s8, $0x3  }
0xc: {  	s11 =	ssub.s32 s5, s11;
	s13 =	sadd.s32 s8, s3;
	s9 =	sadd.s32 s30, s6  }
0xd: {  	s10 =	sadd.s32 s7, s6;
	s7 =	sshrl.u32 s29, $0x3;
	s5 =	sadd.s32 $0x15800, s9  }
0xe: {  	s12 =	sadd.s32 s7, s6;
	s6 =	sor.u32 $0x1C03, s31;
	s7 =	sadd.s32 $0xB800, s10  }
0xf: {  	s8 =	sadd.s32 $0x1800, s10;
	s10 =	smax.u32 s11, $0x1;
	s11 =	sshrl.u32 s13, $0x3  }
0x10: {  	s13 =	simm.s32 $0xA000;
	s9 =	sadd.s32 $0x29800, s12;
	s12 =	simm.s32 $0x3  }
.LBB2_1:
0x11: {  	[spmem:s11], [sflag:s6] =	dma.local [hbm:s5], $0x1400  }
0x12: {  	_ =	swait.ge [sflag:s12], $0x1400  }
0x13: {  	[sflag:s12] =	ssyncset.done $0x0  }
0x14: {  	[sflag:s12] =	ssyncadd.s32 $0xFFFFEC00  }
0x15: {  	[tilespmem:s13], [sflag:$0x3] =	stream.linear.gather [hbm4b:s7+s4], $0x2800, $0x38;
	[tilespmem:$0x13000] =	vst v63  }
0x16: {  	_ =	swait.ge [sflag:s12], $0x2800  }
0x17: {  	[sflag:s12] =	ssyncset.done $0x0  }
0x18: {  	[sflag:s12] =	ssyncadd.s32 $0xFFFFD800  }
0x19: {  	[tilespmem:s14], [sflag:$0x3] =	stream.linear.gather [hbm4b:s8+s4], $0x2800, $0x38;
	[tilespmem:$0x13000] =	vst v63  }
0x1a: {  	_ =	swait.ge [sflag:s12], $0x2800  }
0x1b: {  	[sflag:s12] =	ssyncset.done $0x0  }
0x1c: {  	[sflag:s12] =	ssyncadd.s32 $0xFFFFD800  }
0x1d: {  	[bflag:$0x0] =	sbarrier.arrive $0xFFFF  }
0x1e: {  	[tilespmem:s16], [sflag:$0x1] =	stream.indirect.gather [hbm4b:s2+s15], $0x40, s13, s15, $0xb8;
	[tilespmem:$0x13000] =	vst v63  }
0x1f: {  	s24 =	simm.s32 $0xA080  }
0x20: {  	[tilespmem:s17], [sflag:$0x2] =	stream.indirect.gather [hbm4b:s2+s15], $0x40, s24, s15, $0xb8;
	[tilespmem:$0x13000] =	vst v63  }
0x21: {  	_ =	swait.ge [sflag:s18], $0x2000  }
0x22: {  	[sflag:s18] =	ssyncset.done $0x0  }
0x23: {  	s29 =	simm.s32 $0xC800;
	[sflag:s18] =	ssyncadd.s32 $0xFFFFE000  }
0x24: {  	[spmem:s3] =	stream.indirect.scatter.add.f32 [tilespmem:s16], [sflag:$0x3], $0x40, s29, s15, $0xb8;
	[tilespmem:$0x13000] =	vst v63  }
0x25: {  	_ =	swait.ge [sflag:s12], $0x2000  }
0x26: {  	[sflag:s12] =	ssyncset.done $0x0  }
0x27: {  	s30 =	simm.s32 $0xA100;
	[sflag:s12] =	ssyncadd.s32 $0xFFFFE000  }
0x28: {  	[tilespmem:s16], [sflag:$0x1] =	stream.indirect.gather [hbm4b:s2+s15], $0x40, s30, s15, $0xb8;
	[tilespmem:$0x13000] =	vst v63  }
0x29: {  	_ =	swait.ge [sflag:s19], $0x2000  }
0x2a: {  	[sflag:s19] =	ssyncset.done $0x0  }
0x2b: {  	s31 =	simm.s32 $0xC880;
	[sflag:s19] =	ssyncadd.s32 $0xFFFFE000  }
0x2c: {  	[spmem:s3] =	stream.indirect.scatter.add.f32 [tilespmem:s17], [sflag:$0x3], $0x40, s31, s15, $0xb8;
	[tilespmem:$0x13000] =	vst v63  }
0x2d: {  	_ =	swait.ge [sflag:s12], $0x2000  }
0x2e: {  	s25 =	simm.s32 $0x800;
	s24 =	simm.s32 $0x100;
	[sflag:s12] =	ssyncset.done $0x0  }
.LBB2_2:
0x2f: {  	s26 =	sadd.s32 $0xA080, s24  }
0x30: {  	[sflag:s12] =	ssyncadd.s32 $0xFFFFE000;
	s28 =	smov.u32 s25;
	s29 =	sadd.s32 $0x400, s25  }
0x31: {  	[tilespmem:s17], [sflag:$0x2] =	stream.indirect.gather [hbm4b:s2+s15], $0x40, s26, s15, $0xb8;
	[tilespmem:$0x13000] =	vst v63  }
0x32: {  	p0 =	sne.s32 s25, $0x9800;
	_ =	swait.ge [sflag:s18], $0x2000  }
0x33: {  	[sflag:s18] =	ssyncset.done $0x0  }
0x34: {  	s25 =	sadd.s32 $0xC800, s24;
	[sflag:s18] =	ssyncadd.s32 $0xFFFFE000  }
0x35: {  	[spmem:s3] =	stream.indirect.scatter.add.f32 [tilespmem:s16], [sflag:$0x3], $0x40, s25, s15, $0xb8;
	[tilespmem:$0x13000] =	vst v63  }
0x36: {  	_ =	swait.ge [sflag:s12], $0x2000  }
0x37: {  	[sflag:s12] =	ssyncset.done $0x0  }
0x38: {  	s25 =	sadd.s32 $0xA100, s24;
	[sflag:s12] =	ssyncadd.s32 $0xFFFFE000  }
0x39: {  	[tilespmem:s16], [sflag:$0x1] =	stream.indirect.gather [hbm4b:s2+s15], $0x40, s25, s15, $0xb8;
	[tilespmem:$0x13000] =	vst v63  }
0x3a: {  	_ =	swait.ge [sflag:s19], $0x2000  }
.Ltmp0:
0x3b: {  	[sflag:s19] =	ssyncset.done $0x0;
	(pc) =	sbr.rel @p0 .LBB2_2-.Ltmp0, $4  }
0x3c: {  	s24 =	sadd.s32 $0xC880, s24;
	[sflag:s19] =	ssyncadd.s32 $0xFFFFE000  }
0x3d: {  	[spmem:s3] =	stream.indirect.scatter.add.f32 [tilespmem:s17], [sflag:$0x3], $0x40, s24, s15, $0xb8;
	[tilespmem:$0x13000] =	vst v63  }
0x3e: {  	_ =	swait.ge [sflag:s12], $0x2000  }
0x3f: {  	s25 =	smov.u32 s29;
	s24 =	sshra.s32 s28, $0x2;
	[sflag:s12] =	ssyncset.done $0x0  }
0x40: {  	s25 =	sadd.s32 $0xA080, s24;
	[sflag:s12] =	ssyncadd.s32 $0xFFFFE000  }
0x41: {  	[tilespmem:s17], [sflag:$0x2] =	stream.indirect.gather [hbm4b:s2+s15], $0x40, s25, s15, $0xb8;
	[tilespmem:$0x13000] =	vst v63  }
0x42: {  	_ =	swait.ge [sflag:s18], $0x2000  }
0x43: {  	[sflag:s18] =	ssyncset.done $0x0  }
0x44: {  	s29 =	sadd.s32 $0xC800, s24;
	[sflag:s18] =	ssyncadd.s32 $0xFFFFE000  }
0x45: {  	[spmem:s3] =	stream.indirect.scatter.add.f32 [tilespmem:s16], [sflag:$0x3], $0x40, s29, s15, $0xb8;
	[tilespmem:$0x13000] =	vst v63  }
0x46: {  	_ =	swait.ge [sflag:s12], $0x2000  }
0x47: {  	[sflag:s12] =	ssyncset.done $0x0  }
0x48: {  	s30 =	sadd.s32 $0xA100, s24;
	[sflag:s12] =	ssyncadd.s32 $0xFFFFE000  }
0x49: {  	[tilespmem:s16], [sflag:$0x1] =	stream.indirect.gather [hbm4b:s2+s15], $0x40, s30, s15, $0xb8;
	[tilespmem:$0x13000] =	vst v63  }
0x4a: {  	_ =	swait.ge [sflag:s19], $0x2000  }
0x4b: {  	[sflag:s19] =	ssyncset.done $0x0  }
0x4c: {  	s31 =	sadd.s32 $0xC880, s24;
	[sflag:s19] =	ssyncadd.s32 $0xFFFFE000  }
0x4d: {  	[spmem:s3] =	stream.indirect.scatter.add.f32 [tilespmem:s17], [sflag:$0x3], $0x40, s31, s15, $0xb8;
	[tilespmem:$0x13000] =	vst v63  }
0x4e: {  	_ =	swait.ge [sflag:s12], $0x2000  }
0x4f: {  	[sflag:s12] =	ssyncset.done $0x0  }
0x50: {  	[sflag:s12] =	ssyncadd.s32 $0xFFFFE000  }
0x51: {  	[tilespmem:s17], [sflag:$0x2] =	stream.indirect.gather [hbm4b:s2+s15], $0x40, s20, s15, $0xb8;
	[tilespmem:$0x13000] =	vst v63  }
0x52: {  	_ =	swait.ge [sflag:s18], $0x2000  }
0x53: {  	[sflag:s18] =	ssyncset.done $0x0  }
0x54: {  	[sflag:s18] =	ssyncadd.s32 $0xFFFFE000  }
0x55: {  	[spmem:s3] =	stream.indirect.scatter.add.f32 [tilespmem:s16], [sflag:$0x3], $0x40, s21, s15, $0xb8;
	[tilespmem:$0x13000] =	vst v63  }
0x56: {  	_ =	swait.ge [sflag:s12], $0x2000  }
0x57: {  	[sflag:s12] =	ssyncset.done $0x0  }
0x58: {  	[sflag:s12] =	ssyncadd.s32 $0xFFFFE000  }
0x59: {  	_ =	swait.ge [sflag:s19], $0x2000  }
0x5a: {  	[sflag:s19] =	ssyncset.done $0x0  }
0x5b: {  	[sflag:s19] =	ssyncadd.s32 $0xFFFFE000  }
0x5c: {  	[spmem:s3] =	stream.indirect.scatter.add.f32 [tilespmem:s17], [sflag:$0x3], $0x40, s22, s15, $0xb8;
	[tilespmem:$0x13000] =	vst v63  }
0x5d: {  	_ =	swait.ge [sflag:s12], $0x2000  }
0x5e: {  	s23 =	sadd.s32 $0x1, s23;
	[sflag:s12] =	ssyncset.done $0x0  }
0x5f: {  	p0 =	sne.s32 s23, s10;
	[sflag:s12] =	ssyncadd.s32 $0xFFFFE000  }
.Ltmp1:
0x60: {  	[bflag:$0x0] =	sbarrier.arrive $0xFFFF;
	(pc) =	sbr.rel @p0 .LBB2_1-.Ltmp1, $4  }
0x61: {  	[hbm:s9], [sflag:s6] =	dma.local [spmem:s11], $0x1400  }
0x62: {  	_ =	swait.ge [sflag:s12], $0x1400  }
0x63: {  	[sflag:s12] =	ssyncset.done $0x0  }
0x64: {  	[sflag:s12] =	ssyncadd.s32 $0xFFFFEC00  }
0x65: {  	_ =	sfence.sel $0x180000  }
0x66: {  	[bflag:$0x0] =	sbarrier.arrive $0xFFFF  }
0x67: {  	p0 =	sne.s32 s0, $0x0;
	_ =	strace $0x9000004D  }
0x68: {  	s0 =	sadd.s32 @!p0 $0x100000, s1;
	[bflag:$0x2] =	sbarrier.arrive $0xFFFF  }
0x69: {  	[sflag:s0] =	ssyncadd.tile.s32 @!p0 $0x1;
	_ =	shalt  }
.Lfunc_end2:
_tile_overlayer_lowered:
.L_overlay_start_2:
0x6a: {  	(tag) =	ssettag $0x2  }
0x6b: {  	s0 =	rddreg [dreg:$0x0];
	s2 =	stileid.u32  }
0x6c: {  	s1 =	rddreg [dreg:$0x1];
	p0 =	sne.s32 s2, $0x0  }
0x6d: {  	s3 =	rddreg [dreg:$0x2];
	[bflag:$0x3] =	sbarrier.arrive $0xFFFF;
	s2 =	simm.s32 @!p0 $0x1C03  }
0x6e: {  	[timem:s3], [sflag:s2] =	dma.local @!p0 [hbm:s0], s1  }
0x6f: {  	s0 =	simm.s32 @!p0 $0x3  }
0x70: {  	_ =	swait.ge @!p0 [sflag:s0], s1  }
0x71: {  	s1 =	ssub.s32 @!p0 $0x0, s1;
	[sflag:s0] =	ssyncset.done @!p0 $0x0  }
0x72: {  	[sflag:s0] =	ssyncadd.s32 @!p0 s1  }
0x73: {  	[bflag:$0x3] =	sbarrier.arrive $0xFFFF  }
0x74: {  	_ =	shalt  }

// kernel: kernel.8.cloned.1.call-start
scs
__scs_entry_jumppad:
0x0: {  	(pc) =	sbr.rel $0x88, $3  }
0x1: {  	(tag) =	ssettag $0x0;
	lr =	simm.s32 $0x1  }
0x2: {  	[smem:$0x3F99] =	sst lr;
	_ =	strace $0xD0000000  }
0x3: {  	_ = 	snop  }
0x4: {  	_ = 	snop  }
0x5: {  	_ = 	snop  }
0x6: {  	_ = 	snop  }
0x7: {  	_ = 	snop  }
__scs_overlays_trampoline_lowered:
0x8: {  	[smem:$0x3FA8] =	sst s0  }
0x9: {  	[smem:$0x3FA9] =	sst s1  }
0xa: {  	[smem:$0x3FAA] =	sst s2  }
0xb: {  	[smem:$0x3FAB] =	sst s3  }
0xc: {  	[smem:$0x3FAC] =	sst s4  }
0xd: {  	[smem:$0x3FAD] =	sst s5  }
0xe: {  	[smem:$0x3FAE] =	sst s6  }
0xf: {  	[smem:$0x3FAF] =	sst s7  }
0x10: {  	[smem:$0x3FB0] =	sst s8  }
0x11: {  	[smem:$0x3FB1] =	sst s9;
	s0 =	simm.s32 @!p0 $0x0  }
0x12: {  	s1 =	sld [smem:$0x3F97];
	s0 =	simm.s32 @p0 $0x1  }
0x13: {  	[smem:$0x3FB2] =	sst s0;
	s0 =	simm.s32 @!p1 $0x0  }
0x14: {  	s2 =	sld [smem:$0x3F96];
	s0 =	simm.s32 @p1 $0x1  }
0x15: {  	[smem:$0x3FB3] =	sst s0;
	s0 =	simm.s32 @!p2 $0x0  }
0x16: {  	s3 =	sld [smem:$0x3FDB];
	s0 =	simm.s32 @p2 $0x1  }
0x17: {  	s4 =	simm.s32 $0x1BF5;
	[smem:$0x3FB5] =	sst s0  }
0x18: {  	s0 =	sld [smem:$0x3F98];
	_ =	swait.ge [sflag:s4], $0x0  }
0x19: {  	s7 =	sld [smem:$0x3F99]  }
0x1a: {  	s8 =	sadd.s32 $0xFFFFE003, lr  }
0x1b: {  	s9 =	sadd.s32 $0xFFFFFEF7, lr;
	s5 =	simm.s32 $0xFFFFFFFF;
	p2 =	slt.u32 s8, $0xFFFFF086  }
0x1c: {  	p1 =	slt.u32 s9, $0xF7A;
	s5 =	simm.s32 @!p2 $0x0  }
0x1d: {  	s5 =	simm.s32 @p1 $0x1;
	p0 =	seq.s32 s7, s2  }
0x1e: {  	s7 =	smul.u32 @!p0 $0xF7A, s2;
	p2 =	seq.s32 @!p0 s5, $0x0  }
0x1f: {  	s9 =	smul.u32 $0xF7A, s1;
	s8 =	simm.s32 @!p0 $0x1BF5;
	p2 =	por !p2, p0  }
0x20: {  	[sflag:s8] =	ssyncset.s32 @!p0 $0xFFFFF086;
	s6 =	sadd.s32 @!p0 s3, s7;
	s7 =	simm.s32 @!p0 $0x108  }
0x21: {  	s3 =	sadd.s32 s3, s9;
	s6 =	sadd.s32 @!p0 $0x88, s6;
	s7 =	simm.s32 @p2 $0x1082  }
0x22: {  	[simem:s7], [sflag:s8] =	dma.local @!p0 [hbm:s6], $0xF7A  }
0x23: {  	s9 =	sor.u32 $0xD0000000, s2;
	s6 =	simm.s32 $0x108;
	_ =	swait.ge @!p0 [sflag:s8], $0x0  }
0x24: {  	s3 =	sadd.s32 $0x88, s3;
	s6 =	simm.s32 @!p1 $0x1082;
	[sflag:s4] =	ssyncset.s32 $0xFFFFF086  }
0x25: {  	[simem:s6], [sflag:s4] =	dma.local [hbm:s3], $0xF7A  }
0x26: {  	[smem:$0x3F99] =	sst s1;
	(tag) =	ssettag s2;
	_ =	strace s9  }
0x27: {  	s1 =	sld [smem:$0x3FA9]  }
0x28: {  	s2 =	sld [smem:$0x3FAA]  }
0x29: {  	s4 =	sld [smem:$0x3FAC]  }
0x2a: {  	p0 =	seq.s32 s5, $0x0;
	s5 =	sld [smem:$0x3FAD]  }
0x2b: {  	s6 =	sld [smem:$0x3FAE]  }
0x2c: {  	s7 =	sld [smem:$0x3FAF]  }
0x2d: {  	s3 =	simm.s32 $0x108;
	s8 =	sld [smem:$0x3FB0]  }
0x2e: {  	s3 =	simm.s32 @!p0 $0x1082;
	s9 =	sld [smem:$0x3FB1]  }
0x2f: {  	lr =	sadd.s32 s0, s3;
	s0 =	sld [smem:$0x3FA8]  }
0x30: {  	s3 =	sld [smem:$0x3FAB]  }
0x31: {  	[smem:$0x3FB4] =	sst s10  }
0x32: {  	s10 =	sld [smem:$0x3FB2];
	_ =	sdelay $0x3  }
0x33: {  	p0 =	seq.s32 s10, $0x1;
	s10 =	sld [smem:$0x3FB4];
	_ =	sdelay $0x3  }
0x34: {  	[smem:$0x3FB4] =	sst s10  }
0x35: {  	s10 =	sld [smem:$0x3FB3];
	_ =	sdelay $0x3  }
0x36: {  	p1 =	seq.s32 s10, $0x1;
	s10 =	sld [smem:$0x3FB4];
	_ =	sdelay $0x3  }
0x37: {  	[smem:$0x3FB4] =	sst s10  }
0x38: {  	s10 =	sld [smem:$0x3FB5]  }
0x39: {  	_ = 	snop;
	(pc) =	sbr.ind lr, $3  }
0x3a: {  	_ = 	snop  }
0x3b: {  	_ = 	snop  }
0x3c: {  	p2 =	seq.s32 s10, $0x1;
	s10 =	sld [smem:$0x3FB4]  }
0x3d: {  	_ =	shalt  }
0x3e: {  	_ =	shalt  }
0x3f: {  	_ =	shalt  }
0x40: {  	_ =	shalt  }
0x41: {  	_ =	shalt  }
0x42: {  	_ =	shalt  }
0x43: {  	_ =	shalt  }
0x44: {  	_ =	shalt  }
0x45: {  	_ =	shalt  }
0x46: {  	_ =	shalt  }
0x47: {  	_ =	shalt  }
0x48: {  	_ =	shalt  }
0x49: {  	_ =	shalt  }
0x4a: {  	_ =	shalt  }
0x4b: {  	_ =	shalt  }
0x4c: {  	_ =	shalt  }
0x4d: {  	_ =	shalt  }
0x4e: {  	_ =	shalt  }
0x4f: {  	_ =	shalt  }
0x50: {  	_ =	shalt  }
0x51: {  	_ =	shalt  }
0x52: {  	_ =	shalt  }
0x53: {  	_ =	shalt  }
0x54: {  	_ =	shalt  }
0x55: {  	_ =	shalt  }
0x56: {  	_ =	shalt  }
0x57: {  	_ =	shalt  }
0x58: {  	_ =	shalt  }
0x59: {  	_ =	shalt  }
0x5a: {  	_ =	shalt  }
0x5b: {  	_ =	shalt  }
0x5c: {  	_ =	shalt  }
0x5d: {  	_ =	shalt  }
0x5e: {  	_ =	shalt  }
0x5f: {  	_ =	shalt  }
0x60: {  	_ =	shalt  }
0x61: {  	_ =	shalt  }
0x62: {  	_ =	shalt  }
0x63: {  	_ =	shalt  }
0x64: {  	_ =	shalt  }
0x65: {  	_ =	shalt  }
0x66: {  	_ =	shalt  }
0x67: {  	_ =	shalt  }
0x68: {  	_ =	shalt  }
0x69: {  	_ =	shalt  }
0x6a: {  	_ =	shalt  }
0x6b: {  	_ =	shalt  }
0x6c: {  	_ =	shalt  }
0x6d: {  	_ =	shalt  }
0x6e: {  	_ =	shalt  }
0x6f: {  	_ =	shalt  }
0x70: {  	_ =	shalt  }
0x71: {  	_ =	shalt  }
0x72: {  	_ =	shalt  }
0x73: {  	_ =	shalt  }
0x74: {  	_ =	shalt  }
0x75: {  	_ =	shalt  }
0x76: {  	_ =	shalt  }
0x77: {  	_ =	shalt  }
0x78: {  	_ =	shalt  }
0x79: {  	_ =	shalt  }
0x7a: {  	_ =	shalt  }
0x7b: {  	_ =	shalt  }
0x7c: {  	_ =	shalt  }
0x7d: {  	_ =	shalt  }
0x7e: {  	_ =	shalt  }
0x7f: {  	_ =	shalt  }
0x80: {  	_ =	shalt  }
0x81: {  	_ =	shalt  }
0x82: {  	_ =	shalt  }
0x83: {  	_ =	shalt  }
0x84: {  	_ =	shalt  }
0x85: {  	_ =	shalt  }
0x86: {  	_ =	shalt  }
0x87: {  	_ =	shalt  }
.Lfunc_end0:
.L_simem_size_0:
called_computation_lowered:
.L_overlay_start_0:
0x88: {  	s2 =	sld [smem:$0x3FD9]  }
0x89: {  	s3 =	sld [smem:$0x3FFE];
	_ =	sdelay $0x1  }
0x8a: {  	s1 =	srdreg.scid  }
0x8b: {  	s0 =	sand.u32 $0x1, s1  }
0x8c: {  	s17 =	sshll.u32 s0, $0xA;
	s2 =	sadd.s32 s3, s2  }
0x8d: {  	s2 =	sadd.s32 s2, s17  }
0x8e: {  	[smem:$0x3FC0] =	sst s2  }
0x8f: {  	_ = 	snop  }
0x90: {  	s2 =	sld [smem:$0x3FD0];
	(tm) =	ssettm $0x1  }
0x91: {  	s18 =	sld [smem:$0x3FFB];
	_ =	sdelay $0x3  }
0x92: {  	_ =	strace s18  }
0x93: {  	s3 =	sld [smem:$0x3FFC];
	_ =	sdelay $0x3  }
0x94: {  	_ =	strace s3  }
0x95: {  	s3 =	sld [smem:$0x3FFD];
	_ =	sdelay $0x3  }
0x96: {  	_ =	strace s3  }
0x97: {  	_ =	strace $0x8FFFFFFF  }
0x98: {  	s19 =	sld [smem:$0x3FDB];
	_ =	sdelay $0x1  }
0x99: {  	s4 =	simm.s32 $_scs_section_size  }
0x9a: {  	s5 =	simm.s32 $_size__tile_overlayer_lowered;
	s6 =	simm.s32 $_tile_overlayer_lowered  }
0x9b: {  	s22 =	simm.s32 $0x1BFF;
	s21 =	sshll.u32 s6, $0x1;
	s3 =	sadd.s32 s4, s19  }
0x9c: {  	s7 =	simm.s32 $0x0;
	s20 =	sshll.u32 s5, $0x1;
	s5 =	sadd.s32 s21, s3  }
0x9d: {  	[timem:s7], [sflag:s22] =	dma.local [hbm:s5], s20  }
0x9e: {  	_ =	swait.ge [sflag:s22], s20  }
0x9f: {  	s4 =	ssub.s32 $0x0, s20;
	[sflag:s22] =	ssyncset.done $0x0  }
0xa0: {  	[sflag:s22] =	ssyncadd.s32 s4;
	_ =	sdelay $0x1  }
0xa1: {  	s23 =	simm.s32 $0x1B8B  }
0xa2: {  	_ =	swait.ge [sflag:s23], $0x1  }
0xa3: {  	[sflag:s23] =	ssyncset.done $0x0  }
0xa4: {  	s25 =	simm.s32 $0x1B8E;
	s24 =	sld [smem:$0x3FFE];
	[sflag:s23] =	ssyncadd.s32 $0xFFFFFFFF  }
0xa5: {  	s26 =	simm.s32 $execute0_lowered;
	[smem:$0x3FD2] =	sst s25  }
0xa6: {  	s5 =	sshll.u32 s26, $0x1;
	_ =	strace $0x80000046;
	[dreg:$0x1] =	wrdreg $0xFFFFFFFF  }
0xa7: {  	s28 =	simm.s32 $_size_execute0_lowered;
	s3 =	sadd.s32 s3, s5;
	[dreg:$0x0] =	wrdreg $0x0  }
0xa8: {  	s5 =	sshll.u32 s28, $0x1;
	[dreg:$0x2] =	wrdreg s3  }
0xa9: {  	[dreg:$0x3] =	wrdreg s5  }
0xaa: {  	[dreg:$0x4] =	wrdreg $0xC0  }
0xab: {  	_ =	task [dreg:s7], $0x5FFFF  }
0xac: {  	[dreg:$0x1] =	wrdreg $0xFFFFFFFF  }
0xad: {  	[dreg:$0x0] =	wrdreg $0x60  }
0xae: {  	[dreg:$0x2] =	wrdreg s24  }
0xaf: {  	[dreg:$0x3] =	wrdreg s2  }
0xb0: {  	[dreg:$0x4] =	wrdreg $0x9  }
0xb1: {  	_ =	task.clear_ibuf [dreg:s7], $0x5FFFF;
	_ =	strace $0x90000046  }
0xb2: {  	s29 =	simm.s32 $0x9;
	_ =	strace $0x80000048  }
0xb3: {  	_ =	swait.ge [sflag:s29], $0x1  }
0xb4: {  	[sflag:s29] =	ssyncadd.s32 $0xFFFFFFFF  }
0xb5: {  	_ =	strace $0x90000048  }
0xb6: {  	_ =	sfence  }
0xb7: {  	s30 =	sld [smem:$0x0];
	_ =	sdelay $0x2  }
0xb8: {  	s31 =	sshll.u32 s1, $0xD;
	s1 =	sshrl.u32 s1, $0x2  }
0xb9: {  	s3 =	sand.u32 $0x4000, s31;
	s1 =	sadd.s32 s1, s30  }
0xba: {  	s0 =	sor.u32 s3, s0;
	s1 =	sshll.u32 s1, $0x11  }
0xbb: {  	s0 =	sor.u32 s1, s0  }
0xbc: {  	s0 =	sadd.s32 $0x8F2B, s0  }
0xbd: {  	[sflag:s0] =	ssyncadd.remote.s32 $0x1  }
0xbe: {  	_ =	sfence.sel $0xFFFF  }
0xbf: {  	[dreg:$0x0] =	wrdreg $0xFFFFFFFF;
	(pc) =	sbr.abs _section_cstart, $3  }
0xc0: {  	[dreg:$0x1] =	wrdreg $0xFFFFFFFF  }
0xc1: {  	_ =	task.clear_ibuf [dreg:s7], $0x2FFFF;
	_ =	strace $0x9FFFFFFF  }
0xc2: {  	(tm) =	ssettm $0x7FFFFFFF  }
0xc3: {  	_ =	shalt  }
tec
execute0_lowered:
.L_overlay_start_1:
0x0: {  	(tag) =	ssettag $0x1  }
0x1: {  	s0 =	srdreg.scid;
	s3 =	rddreg [dreg:$0x0]  }
0x2: {  	s5 =	rddreg [dreg:$0x1];
	s4 =	sand.u32 $0x1, s0  }
0x3: {  	s1 =	stileid.u32;
	s8 =	simm.s32 $0x0;
	s2 =	sshll.u32 s4, $0x4  }
0x4: {  	s4 =	ssub.s32 $0x2, s4;
	s6 =	sor.u32 s1, s2;
	s2 =	simm.s32 $0x0  }
0x5: {  	s7 =	sshrl.u32 s4, $0x1;
	s6 =	smul.u32 $0x500, s6;
	[smem:$0x7FF] =	sst s2  }
0x6: {  	s0 =	rddreg [dreg:$0x2];
	s7 =	ssub.s32 s4, s7;
	_ =	strace $0x80000047  }
0x7: {  	s3 =	sadd.s32 s6, s3;
	s4 =	sadd.s32 s5, s6;
	s5 =	smax.u32 s7, $0x1  }
0x8: {  	v0 =	vimm.f32 $0.0e+00;
	v1 =	vimm.f32 $1.000000000e+00;
	s6 =	simm.s32 $0x2800;
	s7 =	simm.s32 $0x1;
	s3 =	sadd.s32 $0x1800, s3  }
.LBB2_1:
0x9: {  	s9 =	simm.s32 $0x40;
	s10 =	simm.s32 $0x0  }
.LBB2_2:
0xa: {  	p0 =	sne.s32 s9, $0x9FC0;
	[tilespmem:s10+$0x0] =	vst v0;
	s10 =	smov.u32 s9;
	s9 =	sadd.s32 $0x40, s9  }
.Ltmp0:
0xb: {  	(pc) =	sbr.rel @p0 .LBB2_2-.Ltmp0, $2  }
0xc: {  	_ =	sdelay $0x2  }
0xd: {  	s10 =	sshra.s32 s10, $0x2  }
0xe: {  	[tilespmem:s10+$0x0] =	vst v0;
	s9 =	simm.s32 $0x0  }
0xf: {  	[tilespmem:s6], [sflag:$0x1] =	stream.linear.gather [hbm4b:s3+s9], $0x2800, $0x38;
	[tilespmem:$0x5000] =	vst v63  }
0x10: {  	_ =	swait.ge [sflag:s7], $0x2800  }
0x11: {  	[sflag:s7] =	ssyncset.done $0x0  }
0x12: {  	s10 =	simm.s32 $0x0;
	s9 =	simm.s32 $0x40;
	[sflag:s7] =	ssyncadd.s32 $0xFFFFD800  }
.LBB2_4:
0x13: {  	p0 =	sne.s32 s9, $0x9FC0;
	v2 =	vld [tilespmem:s10+$0x2800];
	_ =	sdelay $0x3  }
.Ltmp1:
0x14: {  	(pc) =	sbr.rel @p0 .LBB2_4-.Ltmp1, $2  }
0x15: {  	_ =	sdelay $0x2  }
0x16: {  	s10 =	sshra.s32 s9, $0x2;
	s9 =	sadd.s32 $0x40, s9;
	[tilespmem:v2+s2+$0x0] =	vst.idx.add.f32.msk $0xffff, v1  }
0x17: {  	v2 =	vld [tilespmem:s10+$0x2800];
	_ =	sdelay $0x5  }
0x18: {  	s8 =	sadd.s32 $0x1, s8  }
0x19: {  	p0 =	sne.s32 s8, s5  }
.Ltmp2:
0x1a: {  	[tilespmem:v2+s2+$0x0] =	vst.idx.add.f32.msk $0xffff, v1;
	(pc) =	sbr.rel @p0 .LBB2_1-.Ltmp2, $4  }
0x1b: {  	[hbm4b:s4+s2] =	stream.linear.scatter [tilespmem:s2], [sflag:$0x1], $0x2800, $0x38;
	[tilespmem:$0x5000] =	vst v63  }
0x1c: {  	_ =	swait.ge [sflag:s7], $0x2800  }
0x1d: {  	[sflag:s7] =	ssyncset.done $0x0  }
0x1e: {  	[sflag:s7] =	ssyncadd.s32 $0xFFFFD800  }
0x1f: {  	_ =	sfence.sel $0x180000  }
0x20: {  	[bflag:$0x0] =	sbarrier.arrive $0xFFFF  }
0x21: {  	p0 =	sne.s32 s1, $0x0;
	_ =	strace $0x90000047  }
0x22: {  	s0 =	sadd.s32 @!p0 $0x100000, s0;
	[bflag:$0x2] =	sbarrier.arrive $0xFFFF  }
0x23: {  	[sflag:s0] =	ssyncadd.tile.s32 @!p0 $0x1;
	_ =	shalt  }
.Lfunc_end2:
_tile_overlayer_lowered:
.L_overlay_start_2:
0x24: {  	(tag) =	ssettag $0x2  }
0x25: {  	s0 =	rddreg [dreg:$0x0];
	s2 =	stileid.u32  }
0x26: {  	s1 =	rddreg [dreg:$0x1];
	p0 =	sne.s32 s2, $0x0  }
0x27: {  	s3 =	rddreg [dreg:$0x2];
	[bflag:$0x3] =	sbarrier.arrive $0xFFFF;
	s2 =	simm.s32 @!p0 $0x1C01  }
0x28: {  	[timem:s3], [sflag:s2] =	dma.local @!p0 [hbm:s0], s1  }
0x29: {  	s0 =	simm.s32 @!p0 $0x1  }
0x2a: {  	_ =	swait.ge @!p0 [sflag:s0], s1  }
0x2b: {  	s1 =	ssub.s32 @!p0 $0x0, s1;
	[sflag:s0] =	ssyncset.done @!p0 $0x0  }
0x2c: {  	[sflag:s0] =	ssyncadd.s32 @!p0 s1  }
0x2d: {  	[bflag:$0x3] =	sbarrier.arrive $0xFFFF  }
0x2e: {  	_ =	shalt  }

</sc_bundles>
